<compile_context>
chip_gen: v7x
topology: tpu7x:2x2x1
jax: 0.10.2.dev20260603
libtpu: 0.0.44.dev20260713+nightly
codegen_flags: <defaults>
</compile_context>

<pallas_src>
import functools

import jax
import jax.numpy as jnp
from jax import lax
from jax.experimental import pallas as pl
from jax.experimental.pallas import tpu as pltpu
from jax.experimental.pallas import tpu_sc as plsc

_N, _C = 100000, 80
_NW = 32
_RPW = 3136

_TC_BLK = 20480
_TC_G = -(-_N // _TC_BLK)
_PPN = _TC_G * _TC_BLK


def _tc_body(p_ref, t_ref, sum_ref, pp_ref):
    i = pl.program_id(0)
    row_iota1 = lax.broadcasted_iota(jnp.int32, (_C, 128), 0) + 1

    def make_chunk(masked):
        def chunk(k, acc):
            xt = p_ref[:, pl.ds(k * 128, 128)]
            th = jnp.tanh(xt * 0.5)
            sig = 0.5 + 0.5 * th
            sp = -jnp.log(0.5 - 0.5 * th)
            base = sp * sig * sig
            if masked:
                col = i * _TC_BLK + k * 128 + lax.broadcasted_iota(
                    jnp.int32, (1, 128), 1)
                base = jnp.where(col < _N, base, 0.0)
            acc = acc + jnp.sum(base.reshape(_C // 8, 8, 128), axis=0)

            tgt = t_ref[pl.ds(k * 128, 128)]
            ohT = row_iota1 == tgt[None, :]
            pp_ref[pl.ds(k * 128, 128)] = jnp.sum(jnp.where(ohT, xt, 0.0),
                                                  axis=0)
            return acc

        return chunk

    acc0 = jnp.zeros((8, 128), jnp.float32)
    nk = _TC_BLK // 128

    @pl.when(i < _TC_G - 1)
    def _():
        acc = lax.fori_loop(0, nk, make_chunk(False), acc0, unroll=8)

        @pl.when(i == 0)
        def _():
            sum_ref[...] = jnp.zeros((128,), jnp.float32)

        sum_ref[...] += jnp.sum(acc, axis=0)

    @pl.when(i == _TC_G - 1)
    def _():
        acc = lax.fori_loop(0, nk, make_chunk(True), acc0, unroll=8)
        sum_ref[...] += jnp.sum(acc, axis=0)


_tc_dense = pl.pallas_call(
    _tc_body,
    grid=(_TC_G,),
    in_specs=[
        pl.BlockSpec((_C, _TC_BLK), lambda i: (0, i)),
        pl.BlockSpec((_TC_BLK,), lambda i: (i,)),
    ],
    out_specs=[
        pl.BlockSpec((128,), lambda i: (0,)),
        pl.BlockSpec((_TC_BLK,), lambda i: (i,)),
    ],
    out_shape=[
        jax.ShapeDtypeStruct((128,), jnp.float32),
        jax.ShapeDtypeStruct((_PPN,), jnp.float32),
    ],
)


def _sc_mesh():
    return plsc.VectorSubcoreMesh(core_axis_name="c", subcore_axis_name="s")


@functools.partial(
    pl.kernel,
    mesh=_sc_mesh(),
    out_type=jax.ShapeDtypeStruct((_NW, 16), jnp.float32),
    scratch_types=[
        pltpu.VMEM((_RPW,), jnp.float32),
        pltpu.VMEM((_RPW,), jnp.int32),
        pltpu.VMEM((_RPW,), jnp.float32),
        pltpu.VMEM((16,), jnp.float32),
        pltpu.VMEM((128,), jnp.float32),
    ],
)
def _sc_corr(sum_hbm, pp_hbm, tgt_hbm, scr_hbm, out_hbm,
             pp_v, tgt_v, scr_v, acc_v, s_v):
    cid = lax.axis_index("c")
    sid = lax.axis_index("s")
    wid = sid * 2 + cid
    first = wid * _RPW
    row0 = jnp.minimum(first, _N - _RPW)
    pltpu.sync_copy(pp_hbm.at[pl.ds(row0, _RPW)], pp_v)
    pltpu.sync_copy(tgt_hbm.at[pl.ds(row0, _RPW)], tgt_v)
    pltpu.sync_copy(scr_hbm.at[pl.ds(row0, _RPW)], scr_v)
    lane = lax.broadcasted_iota(jnp.int32, (16,), 0)

    def accumulate(i, acc):
        off = i * 16
        tgt = tgt_v[pl.ds(off, 16)]
        s = scr_v[pl.ds(off, 16)]
        x = pp_v[pl.ds(off, 16)]
        pos = ((tgt - 1) >= 0) & ((row0 + off + lane) >= first)
        t = jnp.exp(-jnp.abs(x))
        v = t / (2.0 + t)
        v2 = v * v
        poly = 1.0 + v2 * (1.0 / 3.0 + v2 * (1.0 / 5.0 + v2 * (
            1.0 / 7.0 + v2 * (1.0 / 9.0 + v2 * (1.0 / 11.0 + v2 * (1.0 / 13.0))))))
        ell = 2.0 * v * poly
        sig = jnp.where(x >= 0.0, 1.0, t) / (1.0 + t)
        b0 = jnp.maximum(x, 0.0) + ell
        base = b0 * sig * sig
        pt = s - sig
        new = (b0 - x * s) * pt * pt
        return acc + jnp.where(pos, new - base, 0.0)

    acc = lax.fori_loop(0, _RPW // 16, accumulate,
                    jnp.zeros((16,), jnp.float32), unroll=4)
    acc_v[...] = acc

    @pl.when(wid == 0)
    def _():
        pltpu.sync_copy(sum_hbm, s_v)
        for k in range(8):
            acc_v[...] += s_v[pl.ds(k * 16, 16)]

    pltpu.sync_copy(acc_v, out_hbm.at[wid])


def kernel(pred, target, score):
    tgt = target.astype(jnp.int32)
    scr = score.astype(jnp.float32)

    sum_l, pp_p = _tc_dense(pred.T, tgt)
    parts = _sc_corr(sum_l, pp_p, tgt, scr)

    return jnp.sum(parts) / jnp.float32(_N * _C)

# --- scband reference (transcript-rebuilt; emitter-appended) ---
"""Pipeline reference for scband-quality-focal-loss-12850542150091 (READ-ONLY COPY).

The authoritative reference and input builder live on the scoring server;
editing this copy changes nothing except your own understanding.
"""

import jax, jax.numpy as jnp
import numpy as np

N, C = 100000, 80
BETA = 2.0
LOSS_WEIGHT = 1.0


def _bce_with_logits(x, z):
    # numerically stable binary_cross_entropy_with_logits, reduction='none'
    return jnp.maximum(x, 0.0) - x * z + jnp.log1p(jnp.exp(-jnp.abs(x)))


def setup_inputs(seed: int = 0) -> dict:
    key = jax.random.key(seed)
    k1, k2, k3 = jax.random.split(key, 3)
    pred = jax.random.normal(k1, (N, C), dtype=jnp.float32)
    target = jax.random.randint(k2, (N,), 0, 81, dtype=jnp.int64)
    score = jax.random.uniform(k3, (N,), dtype=jnp.float32)
    return {"pred": pred, "target": target, "score": score}


def reference(pred, target, score):
    pred_sigmoid = jax.nn.sigmoid(pred)
    pt = pred_sigmoid
    # BCE against an all-zero label, scaled by pt**beta
    loss = _bce_with_logits(pred, 0.0) * jnp.power(pt, BETA)

    lbl = target - 1
    pos_mask = lbl >= 0
    b = jnp.clip(lbl, 0, C - 1).astype(jnp.int32)
    rows = jnp.arange(pred.shape[0])

    pred_pos = pred[rows, b]
    pt_pos = score - jax.nn.sigmoid(pred_pos)
    new_loss = _bce_with_logits(pred_pos, score) * jnp.power(pt_pos, BETA)

    # scatter-overwrite only at positive positions (equiv. to loss[a, b] = ...)
    val = jnp.where(pos_mask, new_loss, loss[rows, b])
    loss = loss.at[rows, b].set(val)

    # weight=None, avg_factor=None, reduction='mean'
    return LOSS_WEIGHT * jnp.mean(loss)

if __name__ == "__main__":
    import jax
    _d = setup_inputs()
    print(jax.jit(kernel)(*tuple(_d.values())))

</pallas_src>

<mosaic_0001>
#map = affine_map<(d0, d1) -> (0)>
#map1 = affine_map<(d0, d1) -> (0, 0)>
module attributes {stable_mosaic.version = 14 : i64} {
  func.func @_sc_corr(%arg0: i32, %arg1: i32, %arg2: memref<128xf32, #tpu.memory_space<hbm>>, %arg3: memref<102400xf32, #tpu.memory_space<hbm>>, %arg4: memref<100000xi32, #tpu.memory_space<hbm>>, %arg5: memref<100000xf32, #tpu.memory_space<hbm>>, %arg6: memref<32x16xf32, #tpu.memory_space<hbm>>, %arg7: memref<3136xf32, #tpu.memory_space<vmem>>, %arg8: memref<3136xi32, #tpu.memory_space<vmem>>, %arg9: memref<3136xf32, #tpu.memory_space<vmem>>, %arg10: memref<16xf32, #tpu.memory_space<vmem>>, %arg11: memref<128xf32, #tpu.memory_space<vmem>>) attributes {dimension_semantics = [#tpu.dimension_semantics<core_parallel>, #tpu.dimension_semantics<subcore_parallel>], iteration_bounds = array<i64: 2, 16>, scalar_prefetch = 0 : i64, scratch_operands = 5 : i64, tpu.core_type = #tpu.core_type<sc_vector_subcore>, window_params = [{transform_indices = #map}, {transform_indices = #map}, {transform_indices = #map}, {transform_indices = #map}, {transform_indices = #map1}]} {
    %mul3A = arith.constant 2 : i32
    %mul3A_0 = arith.muli %arg1, %mul3A : i32
    %add3A = arith.addi %mul3A_0, %arg0 : i32
    %mul3A_1 = arith.constant 3136 : i32
    %mul3A_2 = arith.muli %add3A, %mul3A_1 : i32
    %min3A = arith.constant 96864 : i32
    %min3A_3 = arith.minsi %mul3A_2, %min3A : i32
    "tpu.region"() ({
      %run_scoped3A = tpu.sem_alloc : memref<!tpu.dma_semaphore, #tpu.memory_space<semaphore_mem>>
      %dma_start3A = tpu.memref_slice %arg3[%min3A_3] : memref<102400xf32, #tpu.memory_space<hbm>> -> memref<3136xf32, #tpu.memory_space<hbm>>
      %dma_start3A_15 = tpu.memref_slice %arg3[%min3A_3] : memref<102400xf32, #tpu.memory_space<hbm>> -> memref<3136xf32, #tpu.memory_space<hbm>>
      tpu.enqueue_dma source(%dma_start3A_15 : memref<3136xf32, #tpu.memory_space<hbm>>) target(%arg7 : memref<3136xf32, #tpu.memory_space<vmem>>) target_semaphore(%run_scoped3A : memref<!tpu.dma_semaphore, #tpu.memory_space<semaphore_mem>>)
      %dma_wait3A = tpu.memref_slice %arg3[%min3A_3] : memref<102400xf32, #tpu.memory_space<hbm>> -> memref<3136xf32, #tpu.memory_space<hbm>>
      %dma_wait3A_16 = tpu.memref_slice %arg3[%min3A_3] : memref<102400xf32, #tpu.memory_space<hbm>> -> memref<3136xf32, #tpu.memory_space<hbm>>
      tpu.wait_dma2 semaphore(%run_scoped3A : memref<!tpu.dma_semaphore, #tpu.memory_space<semaphore_mem>>) src(%dma_wait3A_16 : memref<3136xf32, #tpu.memory_space<hbm>>) dst(%arg7 : memref<3136xf32, #tpu.memory_space<vmem>>)
      tpu.yield
    }) : () -> ()
    "tpu.region"() ({
      %run_scoped3A = tpu.sem_alloc : memref<!tpu.dma_semaphore, #tpu.memory_space<semaphore_mem>>
      %dma_start3A = tpu.memref_slice %arg4[%min3A_3] : memref<100000xi32, #tpu.memory_space<hbm>> -> memref<3136xi32, #tpu.memory_space<hbm>>
      %dma_start3A_15 = tpu.memref_slice %arg4[%min3A_3] : memref<100000xi32, #tpu.memory_space<hbm>> -> memref<3136xi32, #tpu.memory_space<hbm>>
      tpu.enqueue_dma source(%dma_start3A_15 : memref<3136xi32, #tpu.memory_space<hbm>>) target(%arg8 : memref<3136xi32, #tpu.memory_space<vmem>>) target_semaphore(%run_scoped3A : memref<!tpu.dma_semaphore, #tpu.memory_space<semaphore_mem>>)
      %dma_wait3A = tpu.memref_slice %arg4[%min3A_3] : memref<100000xi32, #tpu.memory_space<hbm>> -> memref<3136xi32, #tpu.memory_space<hbm>>
      %dma_wait3A_16 = tpu.memref_slice %arg4[%min3A_3] : memref<100000xi32, #tpu.memory_space<hbm>> -> memref<3136xi32, #tpu.memory_space<hbm>>
      tpu.wait_dma2 semaphore(%run_scoped3A : memref<!tpu.dma_semaphore, #tpu.memory_space<semaphore_mem>>) src(%dma_wait3A_16 : memref<3136xi32, #tpu.memory_space<hbm>>) dst(%arg8 : memref<3136xi32, #tpu.memory_space<vmem>>)
      tpu.yield
    }) : () -> ()
    "tpu.region"() ({
      %run_scoped3A = tpu.sem_alloc : memref<!tpu.dma_semaphore, #tpu.memory_space<semaphore_mem>>
      %dma_start3A = tpu.memref_slice %arg5[%min3A_3] : memref<100000xf32, #tpu.memory_space<hbm>> -> memref<3136xf32, #tpu.memory_space<hbm>>
      %dma_start3A_15 = tpu.memref_slice %arg5[%min3A_3] : memref<100000xf32, #tpu.memory_space<hbm>> -> memref<3136xf32, #tpu.memory_space<hbm>>
      tpu.enqueue_dma source(%dma_start3A_15 : memref<3136xf32, #tpu.memory_space<hbm>>) target(%arg9 : memref<3136xf32, #tpu.memory_space<vmem>>) target_semaphore(%run_scoped3A : memref<!tpu.dma_semaphore, #tpu.memory_space<semaphore_mem>>)
      %dma_wait3A = tpu.memref_slice %arg5[%min3A_3] : memref<100000xf32, #tpu.memory_space<hbm>> -> memref<3136xf32, #tpu.memory_space<hbm>>
      %dma_wait3A_16 = tpu.memref_slice %arg5[%min3A_3] : memref<100000xf32, #tpu.memory_space<hbm>> -> memref<3136xf32, #tpu.memory_space<hbm>>
      tpu.wait_dma2 semaphore(%run_scoped3A : memref<!tpu.dma_semaphore, #tpu.memory_space<semaphore_mem>>) src(%dma_wait3A_16 : memref<3136xf32, #tpu.memory_space<hbm>>) dst(%arg9 : memref<3136xf32, #tpu.memory_space<vmem>>)
      tpu.yield
    }) : () -> ()
    %iota3A = tpu.iota {dimensions = array<i32: 0>} : vector<16xi32>
    %broadcast_in_dim3A = arith.constant 0.000000e+00 : f32
    %broadcast_in_dim3A_4 = vector.broadcast %broadcast_in_dim3A : f32 to vector<16xf32>
    %scan3A = arith.constant 0 : i32
    %scan3A_5 = arith.constant 196 : i32
    %scan3A_6 = arith.addi %scan3A, %scan3A_5 : i32
    %scan3A_7 = arith.constant 4 : i32
    %scan3A_8 = scf.for %scan3A_15 = %scan3A to %scan3A_6 step %scan3A_7 iter_args(%scan3A_16 = %broadcast_in_dim3A_4) -> (vector<16xf32>)  : i32 {
      %mul3A_17 = arith.constant 16 : i32
      %mul3A_18 = arith.muli %scan3A_15, %mul3A_17 : i32
      %get3A = arith.index_cast %mul3A_18 : i32 to index
      %get3A_19 = tpu.vector_load %arg8[%get3A] {strides = array<i32>} : memref<3136xi32, #tpu.memory_space<vmem>>, vector<16xi32>,
      %get3A_20 = vector.shape_cast %get3A_19 : vector<16xi32> to vector<16xi32>
      %get3A_21 = arith.index_cast %mul3A_18 : i32 to index
      %get3A_22 = tpu.vector_load %arg9[%get3A_21] {strides = array<i32>} : memref<3136xf32, #tpu.memory_space<vmem>>, vector<16xf32>,
      %get3A_23 = vector.shape_cast %get3A_22 : vector<16xf32> to vector<16xf32>
      %get3A_24 = arith.index_cast %mul3A_18 : i32 to index
      %get3A_25 = tpu.vector_load %arg7[%get3A_24] {strides = array<i32>} : memref<3136xf32, #tpu.memory_space<vmem>>, vector<16xf32>,
      %get3A_26 = vector.shape_cast %get3A_25 : vector<16xf32> to vector<16xf32>
      %sub3A = arith.constant 1 : i32
      %sub3A_27 = vector.broadcast %sub3A : i32 to vector<16xi32>
      %sub3A_28 = arith.subi %get3A_20, %sub3A_27 : vector<16xi32>
      %ge3A = arith.constant 0 : i32
      %ge3A_29 = vector.broadcast %ge3A : i32 to vector<16xi32>
      %ge3A_30 = arith.cmpi sge, %sub3A_28, %ge3A_29 : vector<16xi32>
      %add3A_31 = arith.addi %min3A_3, %mul3A_18 : i32
      %add3A_32 = vector.broadcast %add3A_31 : i32 to vector<16xi32>
      %add3A_33 = arith.addi %add3A_32, %iota3A : vector<16xi32>
      %ge3A_34 = vector.broadcast %mul3A_2 : i32 to vector<16xi32>
      %ge3A_35 = arith.cmpi sge, %add3A_33, %ge3A_34 : vector<16xi32>
      %and3A = arith.andi %ge3A_30, %ge3A_35 : vector<16xi1>
      %abs3A = math.absf %get3A_26 : vector<16xf32>
      %neg3A = arith.constant 0.000000e+00 : f32
      %neg3A_36 = vector.broadcast %neg3A : f32 to vector<16xf32>
      %neg3A_37 = arith.subf %neg3A_36, %abs3A : vector<16xf32>
      %exp3A = math.exp %neg3A_37 : vector<16xf32>
      %add3A_38 = arith.constant 2.000000e+00 : f32
      %add3A_39 = vector.broadcast %add3A_38 : f32 to vector<16xf32>
      %add3A_40 = arith.addf %add3A_39, %exp3A : vector<16xf32>
      %div3A = arith.divf %exp3A, %add3A_40 : vector<16xf32>
      %mul3A_41 = arith.mulf %div3A, %div3A : vector<16xf32>
      %mul3A_42 = arith.constant 0.0769230798 : f32
      %mul3A_43 = vector.broadcast %mul3A_42 : f32 to vector<16xf32>
      %mul3A_44 = arith.mulf %mul3A_41, %mul3A_43 : vector<16xf32>
      %add3A_45 = arith.constant 0.0909090936 : f32
      %add3A_46 = vector.broadcast %add3A_45 : f32 to vector<16xf32>
      %add3A_47 = arith.addf %add3A_46, %mul3A_44 : vector<16xf32>
      %mul3A_48 = arith.mulf %mul3A_41, %add3A_47 : vector<16xf32>
      %add3A_49 = arith.constant 0.111111112 : f32
      %add3A_50 = vector.broadcast %add3A_49 : f32 to vector<16xf32>
      %add3A_51 = arith.addf %add3A_50, %mul3A_48 : vector<16xf32>
      %mul3A_52 = arith.mulf %mul3A_41, %add3A_51 : vector<16xf32>
      %add3A_53 = arith.constant 0.142857149 : f32
      %add3A_54 = vector.broadcast %add3A_53 : f32 to vector<16xf32>
      %add3A_55 = arith.addf %add3A_54, %mul3A_52 : vector<16xf32>
      %mul3A_56 = arith.mulf %mul3A_41, %add3A_55 : vector<16xf32>
      %add3A_57 = arith.constant 2.000000e-01 : f32
      %add3A_58 = vector.broadcast %add3A_57 : f32 to vector<16xf32>
      %add3A_59 = arith.addf %add3A_58, %mul3A_56 : vector<16xf32>
      %mul3A_60 = arith.mulf %mul3A_41, %add3A_59 : vector<16xf32>
      %add3A_61 = arith.constant 0.333333343 : f32
      %add3A_62 = vector.broadcast %add3A_61 : f32 to vector<16xf32>
      %add3A_63 = arith.addf %add3A_62, %mul3A_60 : vector<16xf32>
      %mul3A_64 = arith.mulf %mul3A_41, %add3A_63 : vector<16xf32>
      %add3A_65 = arith.constant 1.000000e+00 : f32
      %add3A_66 = vector.broadcast %add3A_65 : f32 to vector<16xf32>
      %add3A_67 = arith.addf %add3A_66, %mul3A_64 : vector<16xf32>
      %mul3A_68 = arith.constant 2.000000e+00 : f32
      %mul3A_69 = vector.broadcast %mul3A_68 : f32 to vector<16xf32>
      %mul3A_70 = arith.mulf %mul3A_69, %div3A : vector<16xf32>
      %mul3A_71 = arith.mulf %mul3A_70, %add3A_67 : vector<16xf32>
      %ge3A_72 = arith.constant 0.000000e+00 : f32
      %ge3A_73 = vector.broadcast %ge3A_72 : f32 to vector<16xf32>
      %ge3A_74 = arith.cmpf oge, %get3A_26, %ge3A_73 : vector<16xf32>
      %jit3A = arith.constant 1.000000e+00 : f32
      %broadcast_in_dim3A_75 = vector.broadcast %jit3A : f32 to vector<16xf32>
      %select_n3A = arith.select %ge3A_74, %broadcast_in_dim3A_75, %exp3A : vector<16xi1>, vector<16xf32>
      %add3A_76 = arith.constant 1.000000e+00 : f32
      %add3A_77 = vector.broadcast %add3A_76 : f32 to vector<16xf32>
      %add3A_78 = arith.addf %add3A_77, %exp3A : vector<16xf32>
      %div3A_79 = arith.divf %select_n3A, %add3A_78 : vector<16xf32>
      %max3A = arith.constant 0.000000e+00 : f32
      %max3A_80 = vector.broadcast %max3A : f32 to vector<16xf32>
      %max3A_81 = arith.maximumf %get3A_26, %max3A_80 : vector<16xf32>
      %add3A_82 = arith.addf %max3A_81, %mul3A_71 : vector<16xf32>
      %mul3A_83 = arith.mulf %add3A_82, %div3A_79 : vector<16xf32>
      %mul3A_84 = arith.mulf %mul3A_83, %div3A_79 : vector<16xf32>
      %sub3A_85 = arith.subf %get3A_23, %div3A_79 : vector<16xf32>
      %mul3A_86 = arith.mulf %get3A_26, %get3A_23 : vector<16xf32>
      %sub3A_87 = arith.subf %add3A_82, %mul3A_86 : vector<16xf32>
      %mul3A_88 = arith.mulf %sub3A_87, %sub3A_85 : vector<16xf32>
      %mul3A_89 = arith.mulf %mul3A_88, %sub3A_85 : vector<16xf32>
      %sub3A_90 = arith.subf %mul3A_89, %mul3A_84 : vector<16xf32>
      %jit3A_91 = arith.constant 0.000000e+00 : f32
      %broadcast_in_dim3A_92 = vector.broadcast %jit3A_91 : f32 to vector<16xf32>
      %select_n3A_93 = arith.select %and3A, %sub3A_90, %broadcast_in_dim3A_92 : vector<16xi1>, vector<16xf32>
      %add3A_94 = arith.addf %scan3A_16, %select_n3A_93 : vector<16xf32>
      %scan3A_95 = arith.constant 1 : i32
      %scan3A_96 = arith.addi %scan3A_15, %scan3A_95 : i32
      %mul3A_97 = arith.constant 16 : i32
      %mul3A_98 = arith.muli %scan3A_96, %mul3A_97 : i32
      %get3A_99 = arith.index_cast %mul3A_98 : i32 to index
      %get3A_100 = tpu.vector_load %arg8[%get3A_99] {strides = array<i32>} : memref<3136xi32, #tpu.memory_space<vmem>>, vector<16xi32>,
      %get3A_101 = vector.shape_cast %get3A_100 : vector<16xi32> to vector<16xi32>
      %get3A_102 = arith.index_cast %mul3A_98 : i32 to index
      %get3A_103 = tpu.vector_load %arg9[%get3A_102] {strides = array<i32>} : memref<3136xf32, #tpu.memory_space<vmem>>, vector<16xf32>,
      %get3A_104 = vector.shape_cast %get3A_103 : vector<16xf32> to vector<16xf32>
      %get3A_105 = arith.index_cast %mul3A_98 : i32 to index
      %get3A_106 = tpu.vector_load %arg7[%get3A_105] {strides = array<i32>} : memref<3136xf32, #tpu.memory_space<vmem>>, vector<16xf32>,
      %get3A_107 = vector.shape_cast %get3A_106 : vector<16xf32> to vector<16xf32>
      %sub3A_108 = arith.constant 1 : i32
      %sub3A_109 = vector.broadcast %sub3A_108 : i32 to vector<16xi32>
      %sub3A_110 = arith.subi %get3A_101, %sub3A_109 : vector<16xi32>
      %ge3A_111 = arith.constant 0 : i32
      %ge3A_112 = vector.broadcast %ge3A_111 : i32 to vector<16xi32>
      %ge3A_113 = arith.cmpi sge, %sub3A_110, %ge3A_112 : vector<16xi32>
      %add3A_114 = arith.addi %min3A_3, %mul3A_98 : i32
      %add3A_115 = vector.broadcast %add3A_114 : i32 to vector<16xi32>
      %add3A_116 = arith.addi %add3A_115, %iota3A : vector<16xi32>
      %ge3A_117 = vector.broadcast %mul3A_2 : i32 to vector<16xi32>
      %ge3A_118 = arith.cmpi sge, %add3A_116, %ge3A_117 : vector<16xi32>
      %and3A_119 = arith.andi %ge3A_113, %ge3A_118 : vector<16xi1>
      %abs3A_120 = math.absf %get3A_107 : vector<16xf32>
      %neg3A_121 = arith.constant 0.000000e+00 : f32
      %neg3A_122 = vector.broadcast %neg3A_121 : f32 to vector<16xf32>
      %neg3A_123 = arith.subf %neg3A_122, %abs3A_120 : vector<16xf32>
      %exp3A_124 = math.exp %neg3A_123 : vector<16xf32>
      %add3A_125 = arith.constant 2.000000e+00 : f32
      %add3A_126 = vector.broadcast %add3A_125 : f32 to vector<16xf32>
      %add3A_127 = arith.addf %add3A_126, %exp3A_124 : vector<16xf32>
      %div3A_128 = arith.divf %exp3A_124, %add3A_127 : vector<16xf32>
      %mul3A_129 = arith.mulf %div3A_128, %div3A_128 : vector<16xf32>
      %mul3A_130 = arith.constant 0.0769230798 : f32
      %mul3A_131 = vector.broadcast %mul3A_130 : f32 to vector<16xf32>
      %mul3A_132 = arith.mulf %mul3A_129, %mul3A_131 : vector<16xf32>
      %add3A_133 = arith.constant 0.0909090936 : f32
      %add3A_134 = vector.broadcast %add3A_133 : f32 to vector<16xf32>
      %add3A_135 = arith.addf %add3A_134, %mul3A_132 : vector<16xf32>
      %mul3A_136 = arith.mulf %mul3A_129, %add3A_135 : vector<16xf32>
      %add3A_137 = arith.constant 0.111111112 : f32
      %add3A_138 = vector.broadcast %add3A_137 : f32 to vector<16xf32>
      %add3A_139 = arith.addf %add3A_138, %mul3A_136 : vector<16xf32>
      %mul3A_140 = arith.mulf %mul3A_129, %add3A_139 : vector<16xf32>
      %add3A_141 = arith.constant 0.142857149 : f32
      %add3A_142 = vector.broadcast %add3A_141 : f32 to vector<16xf32>
      %add3A_143 = arith.addf %add3A_142, %mul3A_140 : vector<16xf32>
      %mul3A_144 = arith.mulf %mul3A_129, %add3A_143 : vector<16xf32>
      %add3A_145 = arith.constant 2.000000e-01 : f32
      %add3A_146 = vector.broadcast %add3A_145 : f32 to vector<16xf32>
      %add3A_147 = arith.addf %add3A_146, %mul3A_144 : vector<16xf32>
      %mul3A_148 = arith.mulf %mul3A_129, %add3A_147 : vector<16xf32>
      %add3A_149 = arith.constant 0.333333343 : f32
      %add3A_150 = vector.broadcast %add3A_149 : f32 to vector<16xf32>
      %add3A_151 = arith.addf %add3A_150, %mul3A_148 : vector<16xf32>
      %mul3A_152 = arith.mulf %mul3A_129, %add3A_151 : vector<16xf32>
      %add3A_153 = arith.constant 1.000000e+00 : f32
      %add3A_154 = vector.broadcast %add3A_153 : f32 to vector<16xf32>
      %add3A_155 = arith.addf %add3A_154, %mul3A_152 : vector<16xf32>
      %mul3A_156 = arith.constant 2.000000e+00 : f32
      %mul3A_157 = vector.broadcast %mul3A_156 : f32 to vector<16xf32>
      %mul3A_158 = arith.mulf %mul3A_157, %div3A_128 : vector<16xf32>
      %mul3A_159 = arith.mulf %mul3A_158, %add3A_155 : vector<16xf32>
      %ge3A_160 = arith.constant 0.000000e+00 : f32
      %ge3A_161 = vector.broadcast %ge3A_160 : f32 to vector<16xf32>
      %ge3A_162 = arith.cmpf oge, %get3A_107, %ge3A_161 : vector<16xf32>
      %jit3A_163 = arith.constant 1.000000e+00 : f32
      %broadcast_in_dim3A_164 = vector.broadcast %jit3A_163 : f32 to vector<16xf32>
      %select_n3A_165 = arith.select %ge3A_162, %broadcast_in_dim3A_164, %exp3A_124 : vector<16xi1>, vector<16xf32>
      %add3A_166 = arith.constant 1.000000e+00 : f32
      %add3A_167 = vector.broadcast %add3A_166 : f32 to vector<16xf32>
      %add3A_168 = arith.addf %add3A_167, %exp3A_124 : vector<16xf32>
      %div3A_169 = arith.divf %select_n3A_165, %add3A_168 : vector<16xf32>
      %max3A_170 = arith.constant 0.000000e+00 : f32
      %max3A_171 = vector.broadcast %max3A_170 : f32 to vector<16xf32>
      %max3A_172 = arith.maximumf %get3A_107, %max3A_171 : vector<16xf32>
      %add3A_173 = arith.addf %max3A_172, %mul3A_159 : vector<16xf32>
      %mul3A_174 = arith.mulf %add3A_173, %div3A_169 : vector<16xf32>
      %mul3A_175 = arith.mulf %mul3A_174, %div3A_169 : vector<16xf32>
      %sub3A_176 = arith.subf %get3A_104, %div3A_169 : vector<16xf32>
      %mul3A_177 = arith.mulf %get3A_107, %get3A_104 : vector<16xf32>
      %sub3A_178 = arith.subf %add3A_173, %mul3A_177 : vector<16xf32>
      %mul3A_179 = arith.mulf %sub3A_178, %sub3A_176 : vector<16xf32>
      %mul3A_180 = arith.mulf %mul3A_179, %sub3A_176 : vector<16xf32>
      %sub3A_181 = arith.subf %mul3A_180, %mul3A_175 : vector<16xf32>
      %jit3A_182 = arith.constant 0.000000e+00 : f32
      %broadcast_in_dim3A_183 = vector.broadcast %jit3A_182 : f32 to vector<16xf32>
      %select_n3A_184 = arith.select %and3A_119, %sub3A_181, %broadcast_in_dim3A_183 : vector<16xi1>, vector<16xf32>
      %add3A_185 = arith.addf %add3A_94, %select_n3A_184 : vector<16xf32>
      %scan3A_186 = arith.constant 2 : i32
      %scan3A_187 = arith.addi %scan3A_15, %scan3A_186 : i32
      %mul3A_188 = arith.constant 16 : i32
      %mul3A_189 = arith.muli %scan3A_187, %mul3A_188 : i32
      %get3A_190 = arith.index_cast %mul3A_189 : i32 to index
      %get3A_191 = tpu.vector_load %arg8[%get3A_190] {strides = array<i32>} : memref<3136xi32, #tpu.memory_space<vmem>>, vector<16xi32>,
      %get3A_192 = vector.shape_cast %get3A_191 : vector<16xi32> to vector<16xi32>
      %get3A_193 = arith.index_cast %mul3A_189 : i32 to index
      %get3A_194 = tpu.vector_load %arg9[%get3A_193] {strides = array<i32>} : memref<3136xf32, #tpu.memory_space<vmem>>, vector<16xf32>,
      %get3A_195 = vector.shape_cast %get3A_194 : vector<16xf32> to vector<16xf32>
      %get3A_196 = arith.index_cast %mul3A_189 : i32 to index
      %get3A_197 = tpu.vector_load %arg7[%get3A_196] {strides = array<i32>} : memref<3136xf32, #tpu.memory_space<vmem>>, vector<16xf32>,
      %get3A_198 = vector.shape_cast %get3A_197 : vector<16xf32> to vector<16xf32>
      %sub3A_199 = arith.constant 1 : i32
      %sub3A_200 = vector.broadcast %sub3A_199 : i32 to vector<16xi32>
      %sub3A_201 = arith.subi %get3A_192, %sub3A_200 : vector<16xi32>
      %ge3A_202 = arith.constant 0 : i32
      %ge3A_203 = vector.broadcast %ge3A_202 : i32 to vector<16xi32>
      %ge3A_204 = arith.cmpi sge, %sub3A_201, %ge3A_203 : vector<16xi32>
      %add3A_205 = arith.addi %min3A_3, %mul3A_189 : i32
      %add3A_206 = vector.broadcast %add3A_205 : i32 to vector<16xi32>
      %add3A_207 = arith.addi %add3A_206, %iota3A : vector<16xi32>
      %ge3A_208 = vector.broadcast %mul3A_2 : i32 to vector<16xi32>
      %ge3A_209 = arith.cmpi sge, %add3A_207, %ge3A_208 : vector<16xi32>
      %and3A_210 = arith.andi %ge3A_204, %ge3A_209 : vector<16xi1>
      %abs3A_211 = math.absf %get3A_198 : vector<16xf32>
      %neg3A_212 = arith.constant 0.000000e+00 : f32
      %neg3A_213 = vector.broadcast %neg3A_212 : f32 to vector<16xf32>
      %neg3A_214 = arith.subf %neg3A_213, %abs3A_211 : vector<16xf32>
      %exp3A_215 = math.exp %neg3A_214 : vector<16xf32>
      %add3A_216 = arith.constant 2.000000e+00 : f32
      %add3A_217 = vector.broadcast %add3A_216 : f32 to vector<16xf32>
      %add3A_218 = arith.addf %add3A_217, %exp3A_215 : vector<16xf32>
      %div3A_219 = arith.divf %exp3A_215, %add3A_218 : vector<16xf32>
      %mul3A_220 = arith.mulf %div3A_219, %div3A_219 : vector<16xf32>
      %mul3A_221 = arith.constant 0.0769230798 : f32
      %mul3A_222 = vector.broadcast %mul3A_221 : f32 to vector<16xf32>
      %mul3A_223 = arith.mulf %mul3A_220, %mul3A_222 : vector<16xf32>
      %add3A_224 = arith.constant 0.0909090936 : f32
      %add3A_225 = vector.broadcast %add3A_224 : f32 to vector<16xf32>
      %add3A_226 = arith.addf %add3A_225, %mul3A_223 : vector<16xf32>
      %mul3A_227 = arith.mulf %mul3A_220, %add3A_226 : vector<16xf32>
      %add3A_228 = arith.constant 0.111111112 : f32
      %add3A_229 = vector.broadcast %add3A_228 : f32 to vector<16xf32>
      %add3A_230 = arith.addf %add3A_229, %mul3A_227 : vector<16xf32>
      %mul3A_231 = arith.mulf %mul3A_220, %add3A_230 : vector<16xf32>
      %add3A_232 = arith.constant 0.142857149 : f32
      %add3A_233 = vector.broadcast %add3A_232 : f32 to vector<16xf32>
      %add3A_234 = arith.addf %add3A_233, %mul3A_231 : vector<16xf32>
      %mul3A_235 = arith.mulf %mul3A_220, %add3A_234 : vector<16xf32>
      %add3A_236 = arith.constant 2.000000e-01 : f32
      %add3A_237 = vector.broadcast %add3A_236 : f32 to vector<16xf32>
      %add3A_238 = arith.addf %add3A_237, %mul3A_235 : vector<16xf32>
      %mul3A_239 = arith.mulf %mul3A_220, %add3A_238 : vector<16xf32>
      %add3A_240 = arith.constant 0.333333343 : f32
      %add3A_241 = vector.broadcast %add3A_240 : f32 to vector<16xf32>
      %add3A_242 = arith.addf %add3A_241, %mul3A_239 : vector<16xf32>
      %mul3A_243 = arith.mulf %mul3A_220, %add3A_242 : vector<16xf32>
      %add3A_244 = arith.constant 1.000000e+00 : f32
      %add3A_245 = vector.broadcast %add3A_244 : f32 to vector<16xf32>
      %add3A_246 = arith.addf %add3A_245, %mul3A_243 : vector<16xf32>
      %mul3A_247 = arith.constant 2.000000e+00 : f32
      %mul3A_248 = vector.broadcast %mul3A_247 : f32 to vector<16xf32>
      %mul3A_249 = arith.mulf %mul3A_248, %div3A_219 : vector<16xf32>
      %mul3A_250 = arith.mulf %mul3A_249, %add3A_246 : vector<16xf32>
      %ge3A_251 = arith.constant 0.000000e+00 : f32
      %ge3A_252 = vector.broadcast %ge3A_251 : f32 to vector<16xf32>
      %ge3A_253 = arith.cmpf oge, %get3A_198, %ge3A_252 : vector<16xf32>
      %jit3A_254 = arith.constant 1.000000e+00 : f32
      %broadcast_in_dim3A_255 = vector.broadcast %jit3A_254 : f32 to vector<16xf32>
      %select_n3A_256 = arith.select %ge3A_253, %broadcast_in_dim3A_255, %exp3A_215 : vector<16xi1>, vector<16xf32>
      %add3A_257 = arith.constant 1.000000e+00 : f32
      %add3A_258 = vector.broadcast %add3A_257 : f32 to vector<16xf32>
      %add3A_259 = arith.addf %add3A_258, %exp3A_215 : vector<16xf32>
      %div3A_260 = arith.divf %select_n3A_256, %add3A_259 : vector<16xf32>
      %max3A_261 = arith.constant 0.000000e+00 : f32
      %max3A_262 = vector.broadcast %max3A_261 : f32 to vector<16xf32>
      %max3A_263 = arith.maximumf %get3A_198, %max3A_262 : vector<16xf32>
      %add3A_264 = arith.addf %max3A_263, %mul3A_250 : vector<16xf32>
      %mul3A_265 = arith.mulf %add3A_264, %div3A_260 : vector<16xf32>
      %mul3A_266 = arith.mulf %mul3A_265, %div3A_260 : vector<16xf32>
      %sub3A_267 = arith.subf %get3A_195, %div3A_260 : vector<16xf32>
      %mul3A_268 = arith.mulf %get3A_198, %get3A_195 : vector<16xf32>
      %sub3A_269 = arith.subf %add3A_264, %mul3A_268 : vector<16xf32>
      %mul3A_270 = arith.mulf %sub3A_269, %sub3A_267 : vector<16xf32>
      %mul3A_271 = arith.mulf %mul3A_270, %sub3A_267 : vector<16xf32>
      %sub3A_272 = arith.subf %mul3A_271, %mul3A_266 : vector<16xf32>
      %jit3A_273 = arith.constant 0.000000e+00 : f32
      %broadcast_in_dim3A_274 = vector.broadcast %jit3A_273 : f32 to vector<16xf32>
      %select_n3A_275 = arith.select %and3A_210, %sub3A_272, %broadcast_in_dim3A_274 : vector<16xi1>, vector<16xf32>
      %add3A_276 = arith.addf %add3A_185, %select_n3A_275 : vector<16xf32>
      %scan3A_277 = arith.constant 3 : i32
      %scan3A_278 = arith.addi %scan3A_15, %scan3A_277 : i32
      %mul3A_279 = arith.constant 16 : i32
      %mul3A_280 = arith.muli %scan3A_278, %mul3A_279 : i32
      %get3A_281 = arith.index_cast %mul3A_280 : i32 to index
      %get3A_282 = tpu.vector_load %arg8[%get3A_281] {strides = array<i32>} : memref<3136xi32, #tpu.memory_space<vmem>>, vector<16xi32>,
      %get3A_283 = vector.shape_cast %get3A_282 : vector<16xi32> to vector<16xi32>
      %get3A_284 = arith.index_cast %mul3A_280 : i32 to index
      %get3A_285 = tpu.vector_load %arg9[%get3A_284] {strides = array<i32>} : memref<3136xf32, #tpu.memory_space<vmem>>, vector<16xf32>,
      %get3A_286 = vector.shape_cast %get3A_285 : vector<16xf32> to vector<16xf32>
      %get3A_287 = arith.index_cast %mul3A_280 : i32 to index
      %get3A_288 = tpu.vector_load %arg7[%get3A_287] {strides = array<i32>} : memref<3136xf32, #tpu.memory_space<vmem>>, vector<16xf32>,
      %get3A_289 = vector.shape_cast %get3A_288 : vector<16xf32> to vector<16xf32>
      %sub3A_290 = arith.constant 1 : i32
      %sub3A_291 = vector.broadcast %sub3A_290 : i32 to vector<16xi32>
      %sub3A_292 = arith.subi %get3A_283, %sub3A_291 : vector<16xi32>
      %ge3A_293 = arith.constant 0 : i32
      %ge3A_294 = vector.broadcast %ge3A_293 : i32 to vector<16xi32>
      %ge3A_295 = arith.cmpi sge, %sub3A_292, %ge3A_294 : vector<16xi32>
      %add3A_296 = arith.addi %min3A_3, %mul3A_280 : i32
      %add3A_297 = vector.broadcast %add3A_296 : i32 to vector<16xi32>
      %add3A_298 = arith.addi %add3A_297, %iota3A : vector<16xi32>
      %ge3A_299 = vector.broadcast %mul3A_2 : i32 to vector<16xi32>
      %ge3A_300 = arith.cmpi sge, %add3A_298, %ge3A_299 : vector<16xi32>
      %and3A_301 = arith.andi %ge3A_295, %ge3A_300 : vector<16xi1>
      %abs3A_302 = math.absf %get3A_289 : vector<16xf32>
      %neg3A_303 = arith.constant 0.000000e+00 : f32
      %neg3A_304 = vector.broadcast %neg3A_303 : f32 to vector<16xf32>
      %neg3A_305 = arith.subf %neg3A_304, %abs3A_302 : vector<16xf32>
      %exp3A_306 = math.exp %neg3A_305 : vector<16xf32>
      %add3A_307 = arith.constant 2.000000e+00 : f32
      %add3A_308 = vector.broadcast %add3A_307 : f32 to vector<16xf32>
      %add3A_309 = arith.addf %add3A_308, %exp3A_306 : vector<16xf32>
      %div3A_310 = arith.divf %exp3A_306, %add3A_309 : vector<16xf32>
      %mul3A_311 = arith.mulf %div3A_310, %div3A_310 : vector<16xf32>
      %mul3A_312 = arith.constant 0.0769230798 : f32
      %mul3A_313 = vector.broadcast %mul3A_312 : f32 to vector<16xf32>
      %mul3A_314 = arith.mulf %mul3A_311, %mul3A_313 : vector<16xf32>
      %add3A_315 = arith.constant 0.0909090936 : f32
      %add3A_316 = vector.broadcast %add3A_315 : f32 to vector<16xf32>
      %add3A_317 = arith.addf %add3A_316, %mul3A_314 : vector<16xf32>
      %mul3A_318 = arith.mulf %mul3A_311, %add3A_317 : vector<16xf32>
      %add3A_319 = arith.constant 0.111111112 : f32
      %add3A_320 = vector.broadcast %add3A_319 : f32 to vector<16xf32>
      %add3A_321 = arith.addf %add3A_320, %mul3A_318 : vector<16xf32>
      %mul3A_322 = arith.mulf %mul3A_311, %add3A_321 : vector<16xf32>
      %add3A_323 = arith.constant 0.142857149 : f32
      %add3A_324 = vector.broadcast %add3A_323 : f32 to vector<16xf32>
      %add3A_325 = arith.addf %add3A_324, %mul3A_322 : vector<16xf32>
      %mul3A_326 = arith.mulf %mul3A_311, %add3A_325 : vector<16xf32>
      %add3A_327 = arith.constant 2.000000e-01 : f32
      %add3A_328 = vector.broadcast %add3A_327 : f32 to vector<16xf32>
      %add3A_329 = arith.addf %add3A_328, %mul3A_326 : vector<16xf32>
      %mul3A_330 = arith.mulf %mul3A_311, %add3A_329 : vector<16xf32>
      %add3A_331 = arith.constant 0.333333343 : f32
      %add3A_332 = vector.broadcast %add3A_331 : f32 to vector<16xf32>
      %add3A_333 = arith.addf %add3A_332, %mul3A_330 : vector<16xf32>
      %mul3A_334 = arith.mulf %mul3A_311, %add3A_333 : vector<16xf32>
      %add3A_335 = arith.constant 1.000000e+00 : f32
      %add3A_336 = vector.broadcast %add3A_335 : f32 to vector<16xf32>
      %add3A_337 = arith.addf %add3A_336, %mul3A_334 : vector<16xf32>
      %mul3A_338 = arith.constant 2.000000e+00 : f32
      %mul3A_339 = vector.broadcast %mul3A_338 : f32 to vector<16xf32>
      %mul3A_340 = arith.mulf %mul3A_339, %div3A_310 : vector<16xf32>
      %mul3A_341 = arith.mulf %mul3A_340, %add3A_337 : vector<16xf32>
      %ge3A_342 = arith.constant 0.000000e+00 : f32
      %ge3A_343 = vector.broadcast %ge3A_342 : f32 to vector<16xf32>
      %ge3A_344 = arith.cmpf oge, %get3A_289, %ge3A_343 : vector<16xf32>
      %jit3A_345 = arith.constant 1.000000e+00 : f32
      %broadcast_in_dim3A_346 = vector.broadcast %jit3A_345 : f32 to vector<16xf32>
      %select_n3A_347 = arith.select %ge3A_344, %broadcast_in_dim3A_346, %exp3A_306 : vector<16xi1>, vector<16xf32>
      %add3A_348 = arith.constant 1.000000e+00 : f32
      %add3A_349 = vector.broadcast %add3A_348 : f32 to vector<16xf32>
      %add3A_350 = arith.addf %add3A_349, %exp3A_306 : vector<16xf32>
      %div3A_351 = arith.divf %select_n3A_347, %add3A_350 : vector<16xf32>
      %max3A_352 = arith.constant 0.000000e+00 : f32
      %max3A_353 = vector.broadcast %max3A_352 : f32 to vector<16xf32>
      %max3A_354 = arith.maximumf %get3A_289, %max3A_353 : vector<16xf32>
      %add3A_355 = arith.addf %max3A_354, %mul3A_341 : vector<16xf32>
      %mul3A_356 = arith.mulf %add3A_355, %div3A_351 : vector<16xf32>
      %mul3A_357 = arith.mulf %mul3A_356, %div3A_351 : vector<16xf32>
      %sub3A_358 = arith.subf %get3A_286, %div3A_351 : vector<16xf32>
      %mul3A_359 = arith.mulf %get3A_289, %get3A_286 : vector<16xf32>
      %sub3A_360 = arith.subf %add3A_355, %mul3A_359 : vector<16xf32>
      %mul3A_361 = arith.mulf %sub3A_360, %sub3A_358 : vector<16xf32>
      %mul3A_362 = arith.mulf %mul3A_361, %sub3A_358 : vector<16xf32>
      %sub3A_363 = arith.subf %mul3A_362, %mul3A_357 : vector<16xf32>
      %jit3A_364 = arith.constant 0.000000e+00 : f32
      %broadcast_in_dim3A_365 = vector.broadcast %jit3A_364 : f32 to vector<16xf32>
      %select_n3A_366 = arith.select %and3A_301, %sub3A_363, %broadcast_in_dim3A_365 : vector<16xi1>, vector<16xf32>
      %add3A_367 = arith.addf %add3A_276, %select_n3A_366 : vector<16xf32>
      scf.yield %add3A_367 : vector<16xf32>
    }
    %scan3A_9 = arith.constant 196 : i32
    %swap3A = arith.constant 0 : index
    %swap3A_10 = tpu.vector_load %arg10[%swap3A] {strides = array<i32>} : memref<16xf32, #tpu.memory_space<vmem>>, vector<16xf32>,
    %swap3A_11 = vector.shape_cast %swap3A_10 : vector<16xf32> to vector<16xf32>
    %swap3A_12 = vector.shape_cast %scan3A_8 : vector<16xf32> to vector<16xf32>
    tpu.vector_store %arg10[%swap3A], %swap3A_12 {strides = array<i32>} : memref<16xf32, #tpu.memory_space<vmem>>, vector<16xf32>,
    %eq3A = arith.constant 0 : i32
    %eq3A_13 = arith.cmpi eq, %add3A, %eq3A : i32
    %convert_element_type3A = arith.extui %eq3A_13 : i1 to i32
    %cond3A = arith.constant 0 : i32
    %cond3A_14 = arith.cmpi ne, %convert_element_type3A, %cond3A : i32
    scf.if %cond3A_14 {
      "tpu.region"() ({
        %run_scoped3A = tpu.sem_alloc : memref<!tpu.dma_semaphore, #tpu.memory_space<semaphore_mem>>
        tpu.enqueue_dma source(%arg2 : memref<128xf32, #tpu.memory_space<hbm>>) target(%arg11 : memref<128xf32, #tpu.memory_space<vmem>>) target_semaphore(%run_scoped3A : memref<!tpu.dma_semaphore, #tpu.memory_space<semaphore_mem>>)
        tpu.wait_dma2 semaphore(%run_scoped3A : memref<!tpu.dma_semaphore, #tpu.memory_space<semaphore_mem>>) src(%arg2 : memref<128xf32, #tpu.memory_space<hbm>>) dst(%arg11 : memref<128xf32, #tpu.memory_space<vmem>>)
        tpu.yield
      }) : () -> ()
      %get3A = arith.constant 0 : index
      %get3A_15 = tpu.vector_load %arg10[%get3A] {strides = array<i32>} : memref<16xf32, #tpu.memory_space<vmem>>, vector<16xf32>,
      %get3A_16 = vector.shape_cast %get3A_15 : vector<16xf32> to vector<16xf32>
      %get3A_17 = arith.constant 0 : index
      %get3A_18 = tpu.vector_load %arg11[%get3A_17] {strides = array<i32>} : memref<128xf32, #tpu.memory_space<vmem>>, vector<16xf32>,
      %get3A_19 = vector.shape_cast %get3A_18 : vector<16xf32> to vector<16xf32>
      %add3A_20 = arith.addf %get3A_16, %get3A_19 : vector<16xf32>
      %swap3A_21 = arith.constant 0 : index
      %swap3A_22 = tpu.vector_load %arg10[%swap3A_21] {strides = array<i32>} : memref<16xf32, #tpu.memory_space<vmem>>, vector<16xf32>,
      %swap3A_23 = vector.shape_cast %swap3A_22 : vector<16xf32> to vector<16xf32>
      %swap3A_24 = vector.shape_cast %add3A_20 : vector<16xf32> to vector<16xf32>
      tpu.vector_store %arg10[%swap3A_21], %swap3A_24 {strides = array<i32>} : memref<16xf32, #tpu.memory_space<vmem>>, vector<16xf32>,
      %get3A_25 = arith.constant 0 : index
      %get3A_26 = tpu.vector_load %arg10[%get3A_25] {strides = array<i32>} : memref<16xf32, #tpu.memory_space<vmem>>, vector<16xf32>,
      %get3A_27 = vector.shape_cast %get3A_26 : vector<16xf32> to vector<16xf32>
      %get3A_28 = arith.constant 16 : index
      %get3A_29 = tpu.vector_load %arg11[%get3A_28] {strides = array<i32>} : memref<128xf32, #tpu.memory_space<vmem>>, vector<16xf32>,
      %get3A_30 = vector.shape_cast %get3A_29 : vector<16xf32> to vector<16xf32>
      %add3A_31 = arith.addf %get3A_27, %get3A_30 : vector<16xf32>
      %swap3A_32 = arith.constant 0 : index
      %swap3A_33 = tpu.vector_load %arg10[%swap3A_32] {strides = array<i32>} : memref<16xf32, #tpu.memory_space<vmem>>, vector<16xf32>,
      %swap3A_34 = vector.shape_cast %swap3A_33 : vector<16xf32> to vector<16xf32>
      %swap3A_35 = vector.shape_cast %add3A_31 : vector<16xf32> to vector<16xf32>
      tpu.vector_store %arg10[%swap3A_32], %swap3A_35 {strides = array<i32>} : memref<16xf32, #tpu.memory_space<vmem>>, vector<16xf32>,
      %get3A_36 = arith.constant 0 : index
      %get3A_37 = tpu.vector_load %arg10[%get3A_36] {strides = array<i32>} : memref<16xf32, #tpu.memory_space<vmem>>, vector<16xf32>,
      %get3A_38 = vector.shape_cast %get3A_37 : vector<16xf32> to vector<16xf32>
      %get3A_39 = arith.constant 32 : index
      %get3A_40 = tpu.vector_load %arg11[%get3A_39] {strides = array<i32>} : memref<128xf32, #tpu.memory_space<vmem>>, vector<16xf32>,
      %get3A_41 = vector.shape_cast %get3A_40 : vector<16xf32> to vector<16xf32>
      %add3A_42 = arith.addf %get3A_38, %get3A_41 : vector<16xf32>
      %swap3A_43 = arith.constant 0 : index
      %swap3A_44 = tpu.vector_load %arg10[%swap3A_43] {strides = array<i32>} : memref<16xf32, #tpu.memory_space<vmem>>, vector<16xf32>,
      %swap3A_45 = vector.shape_cast %swap3A_44 : vector<16xf32> to vector<16xf32>
      %swap3A_46 = vector.shape_cast %add3A_42 : vector<16xf32> to vector<16xf32>
      tpu.vector_store %arg10[%swap3A_43], %swap3A_46 {strides = array<i32>} : memref<16xf32, #tpu.memory_space<vmem>>, vector<16xf32>,
      %get3A_47 = arith.constant 0 : index
      %get3A_48 = tpu.vector_load %arg10[%get3A_47] {strides = array<i32>} : memref<16xf32, #tpu.memory_space<vmem>>, vector<16xf32>,
      %get3A_49 = vector.shape_cast %get3A_48 : vector<16xf32> to vector<16xf32>
      %get3A_50 = arith.constant 48 : index
      %get3A_51 = tpu.vector_load %arg11[%get3A_50] {strides = array<i32>} : memref<128xf32, #tpu.memory_space<vmem>>, vector<16xf32>,
      %get3A_52 = vector.shape_cast %get3A_51 : vector<16xf32> to vector<16xf32>
      %add3A_53 = arith.addf %get3A_49, %get3A_52 : vector<16xf32>
      %swap3A_54 = arith.constant 0 : index
      %swap3A_55 = tpu.vector_load %arg10[%swap3A_54] {strides = array<i32>} : memref<16xf32, #tpu.memory_space<vmem>>, vector<16xf32>,
      %swap3A_56 = vector.shape_cast %swap3A_55 : vector<16xf32> to vector<16xf32>
      %swap3A_57 = vector.shape_cast %add3A_53 : vector<16xf32> to vector<16xf32>
      tpu.vector_store %arg10[%swap3A_54], %swap3A_57 {strides = array<i32>} : memref<16xf32, #tpu.memory_space<vmem>>, vector<16xf32>,
      %get3A_58 = arith.constant 0 : index
      %get3A_59 = tpu.vector_load %arg10[%get3A_58] {strides = array<i32>} : memref<16xf32, #tpu.memory_space<vmem>>, vector<16xf32>,
      %get3A_60 = vector.shape_cast %get3A_59 : vector<16xf32> to vector<16xf32>
      %get3A_61 = arith.constant 64 : index
      %get3A_62 = tpu.vector_load %arg11[%get3A_61] {strides = array<i32>} : memref<128xf32, #tpu.memory_space<vmem>>, vector<16xf32>,
      %get3A_63 = vector.shape_cast %get3A_62 : vector<16xf32> to vector<16xf32>
      %add3A_64 = arith.addf %get3A_60, %get3A_63 : vector<16xf32>
      %swap3A_65 = arith.constant 0 : index
      %swap3A_66 = tpu.vector_load %arg10[%swap3A_65] {strides = array<i32>} : memref<16xf32, #tpu.memory_space<vmem>>, vector<16xf32>,
      %swap3A_67 = vector.shape_cast %swap3A_66 : vector<16xf32> to vector<16xf32>
      %swap3A_68 = vector.shape_cast %add3A_64 : vector<16xf32> to vector<16xf32>
      tpu.vector_store %arg10[%swap3A_65], %swap3A_68 {strides = array<i32>} : memref<16xf32, #tpu.memory_space<vmem>>, vector<16xf32>,
      %get3A_69 = arith.constant 0 : index
      %get3A_70 = tpu.vector_load %arg10[%get3A_69] {strides = array<i32>} : memref<16xf32, #tpu.memory_space<vmem>>, vector<16xf32>,
      %get3A_71 = vector.shape_cast %get3A_70 : vector<16xf32> to vector<16xf32>
      %get3A_72 = arith.constant 80 : index
      %get3A_73 = tpu.vector_load %arg11[%get3A_72] {strides = array<i32>} : memref<128xf32, #tpu.memory_space<vmem>>, vector<16xf32>,
      %get3A_74 = vector.shape_cast %get3A_73 : vector<16xf32> to vector<16xf32>
      %add3A_75 = arith.addf %get3A_71, %get3A_74 : vector<16xf32>
      %swap3A_76 = arith.constant 0 : index
      %swap3A_77 = tpu.vector_load %arg10[%swap3A_76] {strides = array<i32>} : memref<16xf32, #tpu.memory_space<vmem>>, vector<16xf32>,
      %swap3A_78 = vector.shape_cast %swap3A_77 : vector<16xf32> to vector<16xf32>
      %swap3A_79 = vector.shape_cast %add3A_75 : vector<16xf32> to vector<16xf32>
      tpu.vector_store %arg10[%swap3A_76], %swap3A_79 {strides = array<i32>} : memref<16xf32, #tpu.memory_space<vmem>>, vector<16xf32>,
      %get3A_80 = arith.constant 0 : index
      %get3A_81 = tpu.vector_load %arg10[%get3A_80] {strides = array<i32>} : memref<16xf32, #tpu.memory_space<vmem>>, vector<16xf32>,
      %get3A_82 = vector.shape_cast %get3A_81 : vector<16xf32> to vector<16xf32>
      %get3A_83 = arith.constant 96 : index
      %get3A_84 = tpu.vector_load %arg11[%get3A_83] {strides = array<i32>} : memref<128xf32, #tpu.memory_space<vmem>>, vector<16xf32>,
      %get3A_85 = vector.shape_cast %get3A_84 : vector<16xf32> to vector<16xf32>
      %add3A_86 = arith.addf %get3A_82, %get3A_85 : vector<16xf32>
      %swap3A_87 = arith.constant 0 : index
      %swap3A_88 = tpu.vector_load %arg10[%swap3A_87] {strides = array<i32>} : memref<16xf32, #tpu.memory_space<vmem>>, vector<16xf32>,
      %swap3A_89 = vector.shape_cast %swap3A_88 : vector<16xf32> to vector<16xf32>
      %swap3A_90 = vector.shape_cast %add3A_86 : vector<16xf32> to vector<16xf32>
      tpu.vector_store %arg10[%swap3A_87], %swap3A_90 {strides = array<i32>} : memref<16xf32, #tpu.memory_space<vmem>>, vector<16xf32>,
      %get3A_91 = arith.constant 0 : index
      %get3A_92 = tpu.vector_load %arg10[%get3A_91] {strides = array<i32>} : memref<16xf32, #tpu.memory_space<vmem>>, vector<16xf32>,
      %get3A_93 = vector.shape_cast %get3A_92 : vector<16xf32> to vector<16xf32>
      %get3A_94 = arith.constant 112 : index
      %get3A_95 = tpu.vector_load %arg11[%get3A_94] {strides = array<i32>} : memref<128xf32, #tpu.memory_space<vmem>>, vector<16xf32>,
      %get3A_96 = vector.shape_cast %get3A_95 : vector<16xf32> to vector<16xf32>
      %add3A_97 = arith.addf %get3A_93, %get3A_96 : vector<16xf32>
      %swap3A_98 = arith.constant 0 : index
      %swap3A_99 = tpu.vector_load %arg10[%swap3A_98] {strides = array<i32>} : memref<16xf32, #tpu.memory_space<vmem>>, vector<16xf32>,
      %swap3A_100 = vector.shape_cast %swap3A_99 : vector<16xf32> to vector<16xf32>
      %swap3A_101 = vector.shape_cast %add3A_97 : vector<16xf32> to vector<16xf32>
      tpu.vector_store %arg10[%swap3A_98], %swap3A_101 {strides = array<i32>} : memref<16xf32, #tpu.memory_space<vmem>>, vector<16xf32>,
    } else {
    }
    "tpu.region"() ({
      %run_scoped3A = tpu.sem_alloc : memref<!tpu.dma_semaphore, #tpu.memory_space<semaphore_mem>>
      %dma_start3A = arith.constant 0 : i32
      %dma_start3A_15 = tpu.memref_slice %arg6[%add3A, %dma_start3A] : memref<32x16xf32, #tpu.memory_space<hbm>> -> memref<1x16xf32, #tpu.memory_space<hbm>>
      %dma_start3A_16 = tpu.memref_squeeze %dma_start3A_15 : memref<1x16xf32, #tpu.memory_space<hbm>> -> memref<16xf32, #tpu.memory_space<hbm>>
      %dma_start3A_17 = arith.constant 0 : i32
      %dma_start3A_18 = tpu.memref_slice %arg6[%add3A, %dma_start3A_17] : memref<32x16xf32, #tpu.memory_space<hbm>> -> memref<1x16xf32, #tpu.memory_space<hbm>>
      %dma_start3A_19 = tpu.memref_squeeze %dma_start3A_18 : memref<1x16xf32, #tpu.memory_space<hbm>> -> memref<16xf32, #tpu.memory_space<hbm>>
      tpu.enqueue_dma source(%arg10 : memref<16xf32, #tpu.memory_space<vmem>>) target(%dma_start3A_19 : memref<16xf32, #tpu.memory_space<hbm>>) target_semaphore(%run_scoped3A : memref<!tpu.dma_semaphore, #tpu.memory_space<semaphore_mem>>)
      %dma_wait3A = arith.constant 0 : i32
      %dma_wait3A_20 = tpu.memref_slice %arg6[%add3A, %dma_wait3A] : memref<32x16xf32, #tpu.memory_space<hbm>> -> memref<1x16xf32, #tpu.memory_space<hbm>>
      %dma_wait3A_21 = tpu.memref_squeeze %dma_wait3A_20 : memref<1x16xf32, #tpu.memory_space<hbm>> -> memref<16xf32, #tpu.memory_space<hbm>>
      %dma_wait3A_22 = arith.constant 0 : i32
      %dma_wait3A_23 = tpu.memref_slice %arg6[%add3A, %dma_wait3A_22] : memref<32x16xf32, #tpu.memory_space<hbm>> -> memref<1x16xf32, #tpu.memory_space<hbm>>
      %dma_wait3A_24 = tpu.memref_squeeze %dma_wait3A_23 : memref<1x16xf32, #tpu.memory_space<hbm>> -> memref<16xf32, #tpu.memory_space<hbm>>
      tpu.wait_dma2 semaphore(%run_scoped3A : memref<!tpu.dma_semaphore, #tpu.memory_space<semaphore_mem>>) src(%arg10 : memref<16xf32, #tpu.memory_space<vmem>>) dst(%dma_wait3A_24 : memref<16xf32, #tpu.memory_space<hbm>>)
      tpu.yield
    }) : () -> ()
    return
  }
}

module attributes {stable_mosaic.version = 14 : i64} {
  func.func @_tc_body(%arg0: i32, %arg1: memref<80x20480xf32, #tpu.memory_space<vmem>>, %arg2: memref<20480xi32, #tpu.memory_space<vmem>>, %arg3: memref<128xf32, #tpu.memory_space<vmem>>, %arg4: memref<20480xf32, #tpu.memory_space<vmem>>) attributes {dimension_semantics = [#tpu.dimension_semantics<arbitrary>], iteration_bounds = array<i64: 5>, scalar_prefetch = 0 : i64, scratch_operands = 0 : i64, tpu.core_type = #tpu.core_type<tc>, window_params = [{transform_indices = @transform_0, window_bounds = array<i64: 80, 20480>}, {transform_indices = @transform_1, window_bounds = array<i64: 20480>}, {pipeline_mode = #tpu.pipeline_mode<synchronous>, transform_indices = @transform_2, window_bounds = array<i64: 128>}, {transform_indices = @transform_3, window_bounds = array<i64: 20480>}]} {
    %iota3A = tpu.iota {dimensions = array<i32: 0>} : vector<80x128xi32>
    %add3A = arith.constant 1 : i32
    %add3A_0 = vector.broadcast %add3A : i32 to vector<80x128xi32>
    %add3A_1 = arith.addi %iota3A, %add3A_0 : vector<80x128xi32>
    %broadcast_in_dim3A = arith.constant 0.000000e+00 : f32
    %broadcast_in_dim3A_2 = vector.broadcast %broadcast_in_dim3A : f32 to vector<8x128xf32>
    %lt3A = arith.constant 4 : i32
    %lt3A_3 = arith.cmpi slt, %arg0, %lt3A : i32
    %convert_element_type3A = arith.extui %lt3A_3 : i1 to i32
    %cond3A = arith.constant 0 : i32
    %cond3A_4 = arith.cmpi ne, %convert_element_type3A, %cond3A : i32
    scf.if %cond3A_4 {
      %scan3A = arith.constant 0 : i32
      %scan3A_9 = arith.constant 160 : i32
      %scan3A_10 = arith.addi %scan3A, %scan3A_9 : i32
      %scan3A_11 = arith.constant 8 : i32
      %scan3A_12 = scf.for %scan3A_23 = %scan3A to %scan3A_10 step %scan3A_11 iter_args(%scan3A_24 = %broadcast_in_dim3A_2) -> (vector<8x128xf32>)  : i32 {
        %mul3A = arith.constant 128 : i32
        %mul3A_25 = arith.muli %scan3A_23, %mul3A : i32
        %get3A_26 = arith.constant 0 : index
        %get3A_27 = arith.index_cast %mul3A_25 : i32 to index
        %get3A_28 = vector.load %arg1[%get3A_26, %get3A_27] : memref<80x20480xf32, #tpu.memory_space<vmem>>, vector<80x128xf32>
        %mul3A_29 = arith.constant 5.000000e-01 : f32
        %mul3A_30 = vector.broadcast %mul3A_29 : f32 to vector<80x128xf32>
        %mul3A_31 = arith.mulf %get3A_28, %mul3A_30 : vector<80x128xf32>
        %tanh3A = math.tanh %mul3A_31 : vector<80x128xf32>
        %mul3A_32 = arith.constant 5.000000e-01 : f32
        %mul3A_33 = vector.broadcast %mul3A_32 : f32 to vector<80x128xf32>
        %mul3A_34 = arith.mulf %mul3A_33, %tanh3A : vector<80x128xf32>
        %add3A_35 = arith.constant 5.000000e-01 : f32
        %add3A_36 = vector.broadcast %add3A_35 : f32 to vector<80x128xf32>
        %add3A_37 = arith.addf %add3A_36, %mul3A_34 : vector<80x128xf32>
        %mul3A_38 = arith.constant 5.000000e-01 : f32
        %mul3A_39 = vector.broadcast %mul3A_38 : f32 to vector<80x128xf32>
        %mul3A_40 = arith.mulf %mul3A_39, %tanh3A : vector<80x128xf32>
        %sub3A = arith.constant 5.000000e-01 : f32
        %sub3A_41 = vector.broadcast %sub3A : f32 to vector<80x128xf32>
        %sub3A_42 = arith.subf %sub3A_41, %mul3A_40 : vector<80x128xf32>
        %log3A = math.log %sub3A_42 : vector<80x128xf32>
        %neg3A = arith.constant 0.000000e+00 : f32
        %neg3A_43 = vector.broadcast %neg3A : f32 to vector<80x128xf32>
        %neg3A_44 = arith.subf %neg3A_43, %log3A : vector<80x128xf32>
        %mul3A_45 = arith.mulf %neg3A_44, %add3A_37 : vector<80x128xf32>
        %mul3A_46 = arith.mulf %mul3A_45, %add3A_37 : vector<80x128xf32>
        %reshape3A = vector.shape_cast %mul3A_46 : vector<80x128xf32> to vector<10x8x128xf32>
        %reduce_sum3A_47 = arith.constant dense<0.000000e+00> : vector<8x128xf32>
        %reduce_sum3A_48 = vector.multi_reduction <add>, %reshape3A, %reduce_sum3A_47 [0] : vector<10x8x128xf32> to vector<8x128xf32>
        %add3A_49 = arith.addf %scan3A_24, %reduce_sum3A_48 : vector<8x128xf32>
        %mul3A_50 = arith.constant 128 : i32
        %mul3A_51 = arith.muli %scan3A_23, %mul3A_50 : i32
        %get3A_52 = arith.index_cast %mul3A_51 : i32 to index
        %get3A_53 = vector.load %arg2[%get3A_52] : memref<20480xi32, #tpu.memory_space<vmem>>, vector<128xi32>
        %broadcast_in_dim3A_54 = vector.shape_cast %get3A_53 : vector<128xi32> to vector<1x128xi32>
        %eq3A_55 = vector.broadcast %broadcast_in_dim3A_54 : vector<1x128xi32> to vector<80x128xi32>
        %eq3A_56 = arith.cmpi eq, %add3A_1, %eq3A_55 : vector<80x128xi32>
        %jit3A = arith.constant 0.000000e+00 : f32
        %broadcast_in_dim3A_57 = vector.broadcast %jit3A : f32 to vector<80x128xf32>
        %select_n3A = arith.select %eq3A_56, %get3A_28, %broadcast_in_dim3A_57 : vector<80x128xi1>, vector<80x128xf32>
        %reduce_sum3A_58 = arith.constant dense<0.000000e+00> : vector<128xf32>
        %reduce_sum3A_59 = vector.multi_reduction <add>, %select_n3A, %reduce_sum3A_58 [0] : vector<80x128xf32> to vector<128xf32>
        %mul3A_60 = arith.constant 128 : i32
        %mul3A_61 = arith.muli %scan3A_23, %mul3A_60 : i32
        %swap3A_62 = arith.index_cast %mul3A_61 : i32 to index
        %swap3A_63 = vector.load %arg4[%swap3A_62] : memref<20480xf32, #tpu.memory_space<vmem>>, vector<128xf32>
        tpu.vector_store %arg4[%swap3A_62], %reduce_sum3A_59 {strides = array<i32>} : memref<20480xf32, #tpu.memory_space<vmem>>, vector<128xf32>,
        %scan3A_64 = arith.constant 1 : i32
        %scan3A_65 = arith.addi %scan3A_23, %scan3A_64 : i32
        %mul3A_66 = arith.constant 128 : i32
        %mul3A_67 = arith.muli %scan3A_65, %mul3A_66 : i32
        %get3A_68 = arith.constant 0 : index
        %get3A_69 = arith.index_cast %mul3A_67 : i32 to index
        %get3A_70 = vector.load %arg1[%get3A_68, %get3A_69] : memref<80x20480xf32, #tpu.memory_space<vmem>>, vector<80x128xf32>
        %mul3A_71 = arith.constant 5.000000e-01 : f32
        %mul3A_72 = vector.broadcast %mul3A_71 : f32 to vector<80x128xf32>
        %mul3A_73 = arith.mulf %get3A_70, %mul3A_72 : vector<80x128xf32>
        %tanh3A_74 = math.tanh %mul3A_73 : vector<80x128xf32>
        %mul3A_75 = arith.constant 5.000000e-01 : f32
        %mul3A_76 = vector.broadcast %mul3A_75 : f32 to vector<80x128xf32>
        %mul3A_77 = arith.mulf %mul3A_76, %tanh3A_74 : vector<80x128xf32>
        %add3A_78 = arith.constant 5.000000e-01 : f32
        %add3A_79 = vector.broadcast %add3A_78 : f32 to vector<80x128xf32>
        %add3A_80 = arith.addf %add3A_79, %mul3A_77 : vector<80x128xf32>
        %mul3A_81 = arith.constant 5.000000e-01 : f32
        %mul3A_82 = vector.broadcast %mul3A_81 : f32 to vector<80x128xf32>
        %mul3A_83 = arith.mulf %mul3A_82, %tanh3A_74 : vector<80x128xf32>
        %sub3A_84 = arith.constant 5.000000e-01 : f32
        %sub3A_85 = vector.broadcast %sub3A_84 : f32 to vector<80x128xf32>
        %sub3A_86 = arith.subf %sub3A_85, %mul3A_83 : vector<80x128xf32>
        %log3A_87 = math.log %sub3A_86 : vector<80x128xf32>
        %neg3A_88 = arith.constant 0.000000e+00 : f32
        %neg3A_89 = vector.broadcast %neg3A_88 : f32 to vector<80x128xf32>
        %neg3A_90 = arith.subf %neg3A_89, %log3A_87 : vector<80x128xf32>
        %mul3A_91 = arith.mulf %neg3A_90, %add3A_80 : vector<80x128xf32>
        %mul3A_92 = arith.mulf %mul3A_91, %add3A_80 : vector<80x128xf32>
        %reshape3A_93 = vector.shape_cast %mul3A_92 : vector<80x128xf32> to vector<10x8x128xf32>
        %reduce_sum3A_94 = arith.constant dense<0.000000e+00> : vector<8x128xf32>
        %reduce_sum3A_95 = vector.multi_reduction <add>, %reshape3A_93, %reduce_sum3A_94 [0] : vector<10x8x128xf32> to vector<8x128xf32>
        %add3A_96 = arith.addf %add3A_49, %reduce_sum3A_95 : vector<8x128xf32>
        %mul3A_97 = arith.constant 128 : i32
        %mul3A_98 = arith.muli %scan3A_65, %mul3A_97 : i32
        %get3A_99 = arith.index_cast %mul3A_98 : i32 to index
        %get3A_100 = vector.load %arg2[%get3A_99] : memref<20480xi32, #tpu.memory_space<vmem>>, vector<128xi32>
        %broadcast_in_dim3A_101 = vector.shape_cast %get3A_100 : vector<128xi32> to vector<1x128xi32>
        %eq3A_102 = vector.broadcast %broadcast_in_dim3A_101 : vector<1x128xi32> to vector<80x128xi32>
        %eq3A_103 = arith.cmpi eq, %add3A_1, %eq3A_102 : vector<80x128xi32>
        %jit3A_104 = arith.constant 0.000000e+00 : f32
        %broadcast_in_dim3A_105 = vector.broadcast %jit3A_104 : f32 to vector<80x128xf32>
        %select_n3A_106 = arith.select %eq3A_103, %get3A_70, %broadcast_in_dim3A_105 : vector<80x128xi1>, vector<80x128xf32>
        %reduce_sum3A_107 = arith.constant dense<0.000000e+00> : vector<128xf32>
        %reduce_sum3A_108 = vector.multi_reduction <add>, %select_n3A_106, %reduce_sum3A_107 [0] : vector<80x128xf32> to vector<128xf32>
        %mul3A_109 = arith.constant 128 : i32
        %mul3A_110 = arith.muli %scan3A_65, %mul3A_109 : i32
        %swap3A_111 = arith.index_cast %mul3A_110 : i32 to index
        %swap3A_112 = vector.load %arg4[%swap3A_111] : memref<20480xf32, #tpu.memory_space<vmem>>, vector<128xf32>
        tpu.vector_store %arg4[%swap3A_111], %reduce_sum3A_108 {strides = array<i32>} : memref<20480xf32, #tpu.memory_space<vmem>>, vector<128xf32>,
        %scan3A_113 = arith.constant 2 : i32
        %scan3A_114 = arith.addi %scan3A_23, %scan3A_113 : i32
        %mul3A_115 = arith.constant 128 : i32
        %mul3A_116 = arith.muli %scan3A_114, %mul3A_115 : i32
        %get3A_117 = arith.constant 0 : index
        %get3A_118 = arith.index_cast %mul3A_116 : i32 to index
        %get3A_119 = vector.load %arg1[%get3A_117, %get3A_118] : memref<80x20480xf32, #tpu.memory_space<vmem>>, vector<80x128xf32>
        %mul3A_120 = arith.constant 5.000000e-01 : f32
        %mul3A_121 = vector.broadcast %mul3A_120 : f32 to vector<80x128xf32>
        %mul3A_122 = arith.mulf %get3A_119, %mul3A_121 : vector<80x128xf32>
        %tanh3A_123 = math.tanh %mul3A_122 : vector<80x128xf32>
        %mul3A_124 = arith.constant 5.000000e-01 : f32
        %mul3A_125 = vector.broadcast %mul3A_124 : f32 to vector<80x128xf32>
        %mul3A_126 = arith.mulf %mul3A_125, %tanh3A_123 : vector<80x128xf32>
        %add3A_127 = arith.constant 5.000000e-01 : f32
        %add3A_128 = vector.broadcast %add3A_127 : f32 to vector<80x128xf32>
        %add3A_129 = arith.addf %add3A_128, %mul3A_126 : vector<80x128xf32>
        %mul3A_130 = arith.constant 5.000000e-01 : f32
        %mul3A_131 = vector.broadcast %mul3A_130 : f32 to vector<80x128xf32>
        %mul3A_132 = arith.mulf %mul3A_131, %tanh3A_123 : vector<80x128xf32>
        %sub3A_133 = arith.constant 5.000000e-01 : f32
        %sub3A_134 = vector.broadcast %sub3A_133 : f32 to vector<80x128xf32>
        %sub3A_135 = arith.subf %sub3A_134, %mul3A_132 : vector<80x128xf32>
        %log3A_136 = math.log %sub3A_135 : vector<80x128xf32>
        %neg3A_137 = arith.constant 0.000000e+00 : f32
        %neg3A_138 = vector.broadcast %neg3A_137 : f32 to vector<80x128xf32>
        %neg3A_139 = arith.subf %neg3A_138, %log3A_136 : vector<80x128xf32>
        %mul3A_140 = arith.mulf %neg3A_139, %add3A_129 : vector<80x128xf32>
        %mul3A_141 = arith.mulf %mul3A_140, %add3A_129 : vector<80x128xf32>
        %reshape3A_142 = vector.shape_cast %mul3A_141 : vector<80x128xf32> to vector<10x8x128xf32>
        %reduce_sum3A_143 = arith.constant dense<0.000000e+00> : vector<8x128xf32>
        %reduce_sum3A_144 = vector.multi_reduction <add>, %reshape3A_142, %reduce_sum3A_143 [0] : vector<10x8x128xf32> to vector<8x128xf32>
        %add3A_145 = arith.addf %add3A_96, %reduce_sum3A_144 : vector<8x128xf32>
        %mul3A_146 = arith.constant 128 : i32
        %mul3A_147 = arith.muli %scan3A_114, %mul3A_146 : i32
        %get3A_148 = arith.index_cast %mul3A_147 : i32 to index
        %get3A_149 = vector.load %arg2[%get3A_148] : memref<20480xi32, #tpu.memory_space<vmem>>, vector<128xi32>
        %broadcast_in_dim3A_150 = vector.shape_cast %get3A_149 : vector<128xi32> to vector<1x128xi32>
        %eq3A_151 = vector.broadcast %broadcast_in_dim3A_150 : vector<1x128xi32> to vector<80x128xi32>
        %eq3A_152 = arith.cmpi eq, %add3A_1, %eq3A_151 : vector<80x128xi32>
        %jit3A_153 = arith.constant 0.000000e+00 : f32
        %broadcast_in_dim3A_154 = vector.broadcast %jit3A_153 : f32 to vector<80x128xf32>
        %select_n3A_155 = arith.select %eq3A_152, %get3A_119, %broadcast_in_dim3A_154 : vector<80x128xi1>, vector<80x128xf32>
        %reduce_sum3A_156 = arith.constant dense<0.000000e+00> : vector<128xf32>
        %reduce_sum3A_157 = vector.multi_reduction <add>, %select_n3A_155, %reduce_sum3A_156 [0] : vector<80x128xf32> to vector<128xf32>
        %mul3A_158 = arith.constant 128 : i32
        %mul3A_159 = arith.muli %scan3A_114, %mul3A_158 : i32
        %swap3A_160 = arith.index_cast %mul3A_159 : i32 to index
        %swap3A_161 = vector.load %arg4[%swap3A_160] : memref<20480xf32, #tpu.memory_space<vmem>>, vector<128xf32>
        tpu.vector_store %arg4[%swap3A_160], %reduce_sum3A_157 {strides = array<i32>} : memref<20480xf32, #tpu.memory_space<vmem>>, vector<128xf32>,
        %scan3A_162 = arith.constant 3 : i32
        %scan3A_163 = arith.addi %scan3A_23, %scan3A_162 : i32
        %mul3A_164 = arith.constant 128 : i32
        %mul3A_165 = arith.muli %scan3A_163, %mul3A_164 : i32
        %get3A_166 = arith.constant 0 : index
        %get3A_167 = arith.index_cast %mul3A_165 : i32 to index
        %get3A_168 = vector.load %arg1[%get3A_166, %get3A_167] : memref<80x20480xf32, #tpu.memory_space<vmem>>, vector<80x128xf32>
        %mul3A_169 = arith.constant 5.000000e-01 : f32
        %mul3A_170 = vector.broadcast %mul3A_169 : f32 to vector<80x128xf32>
        %mul3A_171 = arith.mulf %get3A_168, %mul3A_170 : vector<80x128xf32>
        %tanh3A_172 = math.tanh %mul3A_171 : vector<80x128xf32>
        %mul3A_173 = arith.constant 5.000000e-01 : f32
        %mul3A_174 = vector.broadcast %mul3A_173 : f32 to vector<80x128xf32>
        %mul3A_175 = arith.mulf %mul3A_174, %tanh3A_172 : vector<80x128xf32>
        %add3A_176 = arith.constant 5.000000e-01 : f32
        %add3A_177 = vector.broadcast %add3A_176 : f32 to vector<80x128xf32>
        %add3A_178 = arith.addf %add3A_177, %mul3A_175 : vector<80x128xf32>
        %mul3A_179 = arith.constant 5.000000e-01 : f32
        %mul3A_180 = vector.broadcast %mul3A_179 : f32 to vector<80x128xf32>
        %mul3A_181 = arith.mulf %mul3A_180, %tanh3A_172 : vector<80x128xf32>
        %sub3A_182 = arith.constant 5.000000e-01 : f32
        %sub3A_183 = vector.broadcast %sub3A_182 : f32 to vector<80x128xf32>
        %sub3A_184 = arith.subf %sub3A_183, %mul3A_181 : vector<80x128xf32>
        %log3A_185 = math.log %sub3A_184 : vector<80x128xf32>
        %neg3A_186 = arith.constant 0.000000e+00 : f32
        %neg3A_187 = vector.broadcast %neg3A_186 : f32 to vector<80x128xf32>
        %neg3A_188 = arith.subf %neg3A_187, %log3A_185 : vector<80x128xf32>
        %mul3A_189 = arith.mulf %neg3A_188, %add3A_178 : vector<80x128xf32>
        %mul3A_190 = arith.mulf %mul3A_189, %add3A_178 : vector<80x128xf32>
        %reshape3A_191 = vector.shape_cast %mul3A_190 : vector<80x128xf32> to vector<10x8x128xf32>
        %reduce_sum3A_192 = arith.constant dense<0.000000e+00> : vector<8x128xf32>
        %reduce_sum3A_193 = vector.multi_reduction <add>, %reshape3A_191, %reduce_sum3A_192 [0] : vector<10x8x128xf32> to vector<8x128xf32>
        %add3A_194 = arith.addf %add3A_145, %reduce_sum3A_193 : vector<8x128xf32>
        %mul3A_195 = arith.constant 128 : i32
        %mul3A_196 = arith.muli %scan3A_163, %mul3A_195 : i32
        %get3A_197 = arith.index_cast %mul3A_196 : i32 to index
        %get3A_198 = vector.load %arg2[%get3A_197] : memref<20480xi32, #tpu.memory_space<vmem>>, vector<128xi32>
        %broadcast_in_dim3A_199 = vector.shape_cast %get3A_198 : vector<128xi32> to vector<1x128xi32>
        %eq3A_200 = vector.broadcast %broadcast_in_dim3A_199 : vector<1x128xi32> to vector<80x128xi32>
        %eq3A_201 = arith.cmpi eq, %add3A_1, %eq3A_200 : vector<80x128xi32>
        %jit3A_202 = arith.constant 0.000000e+00 : f32
        %broadcast_in_dim3A_203 = vector.broadcast %jit3A_202 : f32 to vector<80x128xf32>
        %select_n3A_204 = arith.select %eq3A_201, %get3A_168, %broadcast_in_dim3A_203 : vector<80x128xi1>, vector<80x128xf32>
        %reduce_sum3A_205 = arith.constant dense<0.000000e+00> : vector<128xf32>
        %reduce_sum3A_206 = vector.multi_reduction <add>, %select_n3A_204, %reduce_sum3A_205 [0] : vector<80x128xf32> to vector<128xf32>
        %mul3A_207 = arith.constant 128 : i32
        %mul3A_208 = arith.muli %scan3A_163, %mul3A_207 : i32
        %swap3A_209 = arith.index_cast %mul3A_208 : i32 to index
        %swap3A_210 = vector.load %arg4[%swap3A_209] : memref<20480xf32, #tpu.memory_space<vmem>>, vector<128xf32>
        tpu.vector_store %arg4[%swap3A_209], %reduce_sum3A_206 {strides = array<i32>} : memref<20480xf32, #tpu.memory_space<vmem>>, vector<128xf32>,
        %scan3A_211 = arith.constant 4 : i32
        %scan3A_212 = arith.addi %scan3A_23, %scan3A_211 : i32
        %mul3A_213 = arith.constant 128 : i32
        %mul3A_214 = arith.muli %scan3A_212, %mul3A_213 : i32
        %get3A_215 = arith.constant 0 : index
        %get3A_216 = arith.index_cast %mul3A_214 : i32 to index
        %get3A_217 = vector.load %arg1[%get3A_215, %get3A_216] : memref<80x20480xf32, #tpu.memory_space<vmem>>, vector<80x128xf32>
        %mul3A_218 = arith.constant 5.000000e-01 : f32
        %mul3A_219 = vector.broadcast %mul3A_218 : f32 to vector<80x128xf32>
        %mul3A_220 = arith.mulf %get3A_217, %mul3A_219 : vector<80x128xf32>
        %tanh3A_221 = math.tanh %mul3A_220 : vector<80x128xf32>
        %mul3A_222 = arith.constant 5.000000e-01 : f32
        %mul3A_223 = vector.broadcast %mul3A_222 : f32 to vector<80x128xf32>
        %mul3A_224 = arith.mulf %mul3A_223, %tanh3A_221 : vector<80x128xf32>
        %add3A_225 = arith.constant 5.000000e-01 : f32
        %add3A_226 = vector.broadcast %add3A_225 : f32 to vector<80x128xf32>
        %add3A_227 = arith.addf %add3A_226, %mul3A_224 : vector<80x128xf32>
        %mul3A_228 = arith.constant 5.000000e-01 : f32
        %mul3A_229 = vector.broadcast %mul3A_228 : f32 to vector<80x128xf32>
        %mul3A_230 = arith.mulf %mul3A_229, %tanh3A_221 : vector<80x128xf32>
        %sub3A_231 = arith.constant 5.000000e-01 : f32
        %sub3A_232 = vector.broadcast %sub3A_231 : f32 to vector<80x128xf32>
        %sub3A_233 = arith.subf %sub3A_232, %mul3A_230 : vector<80x128xf32>
        %log3A_234 = math.log %sub3A_233 : vector<80x128xf32>
        %neg3A_235 = arith.constant 0.000000e+00 : f32
        %neg3A_236 = vector.broadcast %neg3A_235 : f32 to vector<80x128xf32>
        %neg3A_237 = arith.subf %neg3A_236, %log3A_234 : vector<80x128xf32>
        %mul3A_238 = arith.mulf %neg3A_237, %add3A_227 : vector<80x128xf32>
        %mul3A_239 = arith.mulf %mul3A_238, %add3A_227 : vector<80x128xf32>
        %reshape3A_240 = vector.shape_cast %mul3A_239 : vector<80x128xf32> to vector<10x8x128xf32>
        %reduce_sum3A_241 = arith.constant dense<0.000000e+00> : vector<8x128xf32>
        %reduce_sum3A_242 = vector.multi_reduction <add>, %reshape3A_240, %reduce_sum3A_241 [0] : vector<10x8x128xf32> to vector<8x128xf32>
        %add3A_243 = arith.addf %add3A_194, %reduce_sum3A_242 : vector<8x128xf32>
        %mul3A_244 = arith.constant 128 : i32
        %mul3A_245 = arith.muli %scan3A_212, %mul3A_244 : i32
        %get3A_246 = arith.index_cast %mul3A_245 : i32 to index
        %get3A_247 = vector.load %arg2[%get3A_246] : memref<20480xi32, #tpu.memory_space<vmem>>, vector<128xi32>
        %broadcast_in_dim3A_248 = vector.shape_cast %get3A_247 : vector<128xi32> to vector<1x128xi32>
        %eq3A_249 = vector.broadcast %broadcast_in_dim3A_248 : vector<1x128xi32> to vector<80x128xi32>
        %eq3A_250 = arith.cmpi eq, %add3A_1, %eq3A_249 : vector<80x128xi32>
        %jit3A_251 = arith.constant 0.000000e+00 : f32
        %broadcast_in_dim3A_252 = vector.broadcast %jit3A_251 : f32 to vector<80x128xf32>
        %select_n3A_253 = arith.select %eq3A_250, %get3A_217, %broadcast_in_dim3A_252 : vector<80x128xi1>, vector<80x128xf32>
        %reduce_sum3A_254 = arith.constant dense<0.000000e+00> : vector<128xf32>
        %reduce_sum3A_255 = vector.multi_reduction <add>, %select_n3A_253, %reduce_sum3A_254 [0] : vector<80x128xf32> to vector<128xf32>
        %mul3A_256 = arith.constant 128 : i32
        %mul3A_257 = arith.muli %scan3A_212, %mul3A_256 : i32
        %swap3A_258 = arith.index_cast %mul3A_257 : i32 to index
        %swap3A_259 = vector.load %arg4[%swap3A_258] : memref<20480xf32, #tpu.memory_space<vmem>>, vector<128xf32>
        tpu.vector_store %arg4[%swap3A_258], %reduce_sum3A_255 {strides = array<i32>} : memref<20480xf32, #tpu.memory_space<vmem>>, vector<128xf32>,
        %scan3A_260 = arith.constant 5 : i32
        %scan3A_261 = arith.addi %scan3A_23, %scan3A_260 : i32
        %mul3A_262 = arith.constant 128 : i32
        %mul3A_263 = arith.muli %scan3A_261, %mul3A_262 : i32
        %get3A_264 = arith.constant 0 : index
        %get3A_265 = arith.index_cast %mul3A_263 : i32 to index
        %get3A_266 = vector.load %arg1[%get3A_264, %get3A_265] : memref<80x20480xf32, #tpu.memory_space<vmem>>, vector<80x128xf32>
        %mul3A_267 = arith.constant 5.000000e-01 : f32
        %mul3A_268 = vector.broadcast %mul3A_267 : f32 to vector<80x128xf32>
        %mul3A_269 = arith.mulf %get3A_266, %mul3A_268 : vector<80x128xf32>
        %tanh3A_270 = math.tanh %mul3A_269 : vector<80x128xf32>
        %mul3A_271 = arith.constant 5.000000e-01 : f32
        %mul3A_272 = vector.broadcast %mul3A_271 : f32 to vector<80x128xf32>
        %mul3A_273 = arith.mulf %mul3A_272, %tanh3A_270 : vector<80x128xf32>
        %add3A_274 = arith.constant 5.000000e-01 : f32
        %add3A_275 = vector.broadcast %add3A_274 : f32 to vector<80x128xf32>
        %add3A_276 = arith.addf %add3A_275, %mul3A_273 : vector<80x128xf32>
        %mul3A_277 = arith.constant 5.000000e-01 : f32
        %mul3A_278 = vector.broadcast %mul3A_277 : f32 to vector<80x128xf32>
        %mul3A_279 = arith.mulf %mul3A_278, %tanh3A_270 : vector<80x128xf32>
        %sub3A_280 = arith.constant 5.000000e-01 : f32
        %sub3A_281 = vector.broadcast %sub3A_280 : f32 to vector<80x128xf32>
        %sub3A_282 = arith.subf %sub3A_281, %mul3A_279 : vector<80x128xf32>
        %log3A_283 = math.log %sub3A_282 : vector<80x128xf32>
        %neg3A_284 = arith.constant 0.000000e+00 : f32
        %neg3A_285 = vector.broadcast %neg3A_284 : f32 to vector<80x128xf32>
        %neg3A_286 = arith.subf %neg3A_285, %log3A_283 : vector<80x128xf32>
        %mul3A_287 = arith.mulf %neg3A_286, %add3A_276 : vector<80x128xf32>
        %mul3A_288 = arith.mulf %mul3A_287, %add3A_276 : vector<80x128xf32>
        %reshape3A_289 = vector.shape_cast %mul3A_288 : vector<80x128xf32> to vector<10x8x128xf32>
        %reduce_sum3A_290 = arith.constant dense<0.000000e+00> : vector<8x128xf32>
        %reduce_sum3A_291 = vector.multi_reduction <add>, %reshape3A_289, %reduce_sum3A_290 [0] : vector<10x8x128xf32> to vector<8x128xf32>
        %add3A_292 = arith.addf %add3A_243, %reduce_sum3A_291 : vector<8x128xf32>
        %mul3A_293 = arith.constant 128 : i32
        %mul3A_294 = arith.muli %scan3A_261, %mul3A_293 : i32
        %get3A_295 = arith.index_cast %mul3A_294 : i32 to index
        %get3A_296 = vector.load %arg2[%get3A_295] : memref<20480xi32, #tpu.memory_space<vmem>>, vector<128xi32>
        %broadcast_in_dim3A_297 = vector.shape_cast %get3A_296 : vector<128xi32> to vector<1x128xi32>
        %eq3A_298 = vector.broadcast %broadcast_in_dim3A_297 : vector<1x128xi32> to vector<80x128xi32>
        %eq3A_299 = arith.cmpi eq, %add3A_1, %eq3A_298 : vector<80x128xi32>
        %jit3A_300 = arith.constant 0.000000e+00 : f32
        %broadcast_in_dim3A_301 = vector.broadcast %jit3A_300 : f32 to vector<80x128xf32>
        %select_n3A_302 = arith.select %eq3A_299, %get3A_266, %broadcast_in_dim3A_301 : vector<80x128xi1>, vector<80x128xf32>
        %reduce_sum3A_303 = arith.constant dense<0.000000e+00> : vector<128xf32>
        %reduce_sum3A_304 = vector.multi_reduction <add>, %select_n3A_302, %reduce_sum3A_303 [0] : vector<80x128xf32> to vector<128xf32>
        %mul3A_305 = arith.constant 128 : i32
        %mul3A_306 = arith.muli %scan3A_261, %mul3A_305 : i32
        %swap3A_307 = arith.index_cast %mul3A_306 : i32 to index
        %swap3A_308 = vector.load %arg4[%swap3A_307] : memref<20480xf32, #tpu.memory_space<vmem>>, vector<128xf32>
        tpu.vector_store %arg4[%swap3A_307], %reduce_sum3A_304 {strides = array<i32>} : memref<20480xf32, #tpu.memory_space<vmem>>, vector<128xf32>,
        %scan3A_309 = arith.constant 6 : i32
        %scan3A_310 = arith.addi %scan3A_23, %scan3A_309 : i32
        %mul3A_311 = arith.constant 128 : i32
        %mul3A_312 = arith.muli %scan3A_310, %mul3A_311 : i32
        %get3A_313 = arith.constant 0 : index
        %get3A_314 = arith.index_cast %mul3A_312 : i32 to index
        %get3A_315 = vector.load %arg1[%get3A_313, %get3A_314] : memref<80x20480xf32, #tpu.memory_space<vmem>>, vector<80x128xf32>
        %mul3A_316 = arith.constant 5.000000e-01 : f32
        %mul3A_317 = vector.broadcast %mul3A_316 : f32 to vector<80x128xf32>
        %mul3A_318 = arith.mulf %get3A_315, %mul3A_317 : vector<80x128xf32>
        %tanh3A_319 = math.tanh %mul3A_318 : vector<80x128xf32>
        %mul3A_320 = arith.constant 5.000000e-01 : f32
        %mul3A_321 = vector.broadcast %mul3A_320 : f32 to vector<80x128xf32>
        %mul3A_322 = arith.mulf %mul3A_321, %tanh3A_319 : vector<80x128xf32>
        %add3A_323 = arith.constant 5.000000e-01 : f32
        %add3A_324 = vector.broadcast %add3A_323 : f32 to vector<80x128xf32>
        %add3A_325 = arith.addf %add3A_324, %mul3A_322 : vector<80x128xf32>
        %mul3A_326 = arith.constant 5.000000e-01 : f32
        %mul3A_327 = vector.broadcast %mul3A_326 : f32 to vector<80x128xf32>
        %mul3A_328 = arith.mulf %mul3A_327, %tanh3A_319 : vector<80x128xf32>
        %sub3A_329 = arith.constant 5.000000e-01 : f32
        %sub3A_330 = vector.broadcast %sub3A_329 : f32 to vector<80x128xf32>
        %sub3A_331 = arith.subf %sub3A_330, %mul3A_328 : vector<80x128xf32>
        %log3A_332 = math.log %sub3A_331 : vector<80x128xf32>
        %neg3A_333 = arith.constant 0.000000e+00 : f32
        %neg3A_334 = vector.broadcast %neg3A_333 : f32 to vector<80x128xf32>
        %neg3A_335 = arith.subf %neg3A_334, %log3A_332 : vector<80x128xf32>
        %mul3A_336 = arith.mulf %neg3A_335, %add3A_325 : vector<80x128xf32>
        %mul3A_337 = arith.mulf %mul3A_336, %add3A_325 : vector<80x128xf32>
        %reshape3A_338 = vector.shape_cast %mul3A_337 : vector<80x128xf32> to vector<10x8x128xf32>
        %reduce_sum3A_339 = arith.constant dense<0.000000e+00> : vector<8x128xf32>
        %reduce_sum3A_340 = vector.multi_reduction <add>, %reshape3A_338, %reduce_sum3A_339 [0] : vector<10x8x128xf32> to vector<8x128xf32>
        %add3A_341 = arith.addf %add3A_292, %reduce_sum3A_340 : vector<8x128xf32>
        %mul3A_342 = arith.constant 128 : i32
        %mul3A_343 = arith.muli %scan3A_310, %mul3A_342 : i32
        %get3A_344 = arith.index_cast %mul3A_343 : i32 to index
        %get3A_345 = vector.load %arg2[%get3A_344] : memref<20480xi32, #tpu.memory_space<vmem>>, vector<128xi32>
        %broadcast_in_dim3A_346 = vector.shape_cast %get3A_345 : vector<128xi32> to vector<1x128xi32>
        %eq3A_347 = vector.broadcast %broadcast_in_dim3A_346 : vector<1x128xi32> to vector<80x128xi32>
        %eq3A_348 = arith.cmpi eq, %add3A_1, %eq3A_347 : vector<80x128xi32>
        %jit3A_349 = arith.constant 0.000000e+00 : f32
        %broadcast_in_dim3A_350 = vector.broadcast %jit3A_349 : f32 to vector<80x128xf32>
        %select_n3A_351 = arith.select %eq3A_348, %get3A_315, %broadcast_in_dim3A_350 : vector<80x128xi1>, vector<80x128xf32>
        %reduce_sum3A_352 = arith.constant dense<0.000000e+00> : vector<128xf32>
        %reduce_sum3A_353 = vector.multi_reduction <add>, %select_n3A_351, %reduce_sum3A_352 [0] : vector<80x128xf32> to vector<128xf32>
        %mul3A_354 = arith.constant 128 : i32
        %mul3A_355 = arith.muli %scan3A_310, %mul3A_354 : i32
        %swap3A_356 = arith.index_cast %mul3A_355 : i32 to index
        %swap3A_357 = vector.load %arg4[%swap3A_356] : memref<20480xf32, #tpu.memory_space<vmem>>, vector<128xf32>
        tpu.vector_store %arg4[%swap3A_356], %reduce_sum3A_353 {strides = array<i32>} : memref<20480xf32, #tpu.memory_space<vmem>>, vector<128xf32>,
        %scan3A_358 = arith.constant 7 : i32
        %scan3A_359 = arith.addi %scan3A_23, %scan3A_358 : i32
        %mul3A_360 = arith.constant 128 : i32
        %mul3A_361 = arith.muli %scan3A_359, %mul3A_360 : i32
        %get3A_362 = arith.constant 0 : index
        %get3A_363 = arith.index_cast %mul3A_361 : i32 to index
        %get3A_364 = vector.load %arg1[%get3A_362, %get3A_363] : memref<80x20480xf32, #tpu.memory_space<vmem>>, vector<80x128xf32>
        %mul3A_365 = arith.constant 5.000000e-01 : f32
        %mul3A_366 = vector.broadcast %mul3A_365 : f32 to vector<80x128xf32>
        %mul3A_367 = arith.mulf %get3A_364, %mul3A_366 : vector<80x128xf32>
        %tanh3A_368 = math.tanh %mul3A_367 : vector<80x128xf32>
        %mul3A_369 = arith.constant 5.000000e-01 : f32
        %mul3A_370 = vector.broadcast %mul3A_369 : f32 to vector<80x128xf32>
        %mul3A_371 = arith.mulf %mul3A_370, %tanh3A_368 : vector<80x128xf32>
        %add3A_372 = arith.constant 5.000000e-01 : f32
        %add3A_373 = vector.broadcast %add3A_372 : f32 to vector<80x128xf32>
        %add3A_374 = arith.addf %add3A_373, %mul3A_371 : vector<80x128xf32>
        %mul3A_375 = arith.constant 5.000000e-01 : f32
        %mul3A_376 = vector.broadcast %mul3A_375 : f32 to vector<80x128xf32>
        %mul3A_377 = arith.mulf %mul3A_376, %tanh3A_368 : vector<80x128xf32>
        %sub3A_378 = arith.constant 5.000000e-01 : f32
        %sub3A_379 = vector.broadcast %sub3A_378 : f32 to vector<80x128xf32>
        %sub3A_380 = arith.subf %sub3A_379, %mul3A_377 : vector<80x128xf32>
        %log3A_381 = math.log %sub3A_380 : vector<80x128xf32>
        %neg3A_382 = arith.constant 0.000000e+00 : f32
        %neg3A_383 = vector.broadcast %neg3A_382 : f32 to vector<80x128xf32>
        %neg3A_384 = arith.subf %neg3A_383, %log3A_381 : vector<80x128xf32>
        %mul3A_385 = arith.mulf %neg3A_384, %add3A_374 : vector<80x128xf32>
        %mul3A_386 = arith.mulf %mul3A_385, %add3A_374 : vector<80x128xf32>
        %reshape3A_387 = vector.shape_cast %mul3A_386 : vector<80x128xf32> to vector<10x8x128xf32>
        %reduce_sum3A_388 = arith.constant dense<0.000000e+00> : vector<8x128xf32>
        %reduce_sum3A_389 = vector.multi_reduction <add>, %reshape3A_387, %reduce_sum3A_388 [0] : vector<10x8x128xf32> to vector<8x128xf32>
        %add3A_390 = arith.addf %add3A_341, %reduce_sum3A_389 : vector<8x128xf32>
        %mul3A_391 = arith.constant 128 : i32
        %mul3A_392 = arith.muli %scan3A_359, %mul3A_391 : i32
        %get3A_393 = arith.index_cast %mul3A_392 : i32 to index
        %get3A_394 = vector.load %arg2[%get3A_393] : memref<20480xi32, #tpu.memory_space<vmem>>, vector<128xi32>
        %broadcast_in_dim3A_395 = vector.shape_cast %get3A_394 : vector<128xi32> to vector<1x128xi32>
        %eq3A_396 = vector.broadcast %broadcast_in_dim3A_395 : vector<1x128xi32> to vector<80x128xi32>
        %eq3A_397 = arith.cmpi eq, %add3A_1, %eq3A_396 : vector<80x128xi32>
        %jit3A_398 = arith.constant 0.000000e+00 : f32
        %broadcast_in_dim3A_399 = vector.broadcast %jit3A_398 : f32 to vector<80x128xf32>
        %select_n3A_400 = arith.select %eq3A_397, %get3A_364, %broadcast_in_dim3A_399 : vector<80x128xi1>, vector<80x128xf32>
        %reduce_sum3A_401 = arith.constant dense<0.000000e+00> : vector<128xf32>
        %reduce_sum3A_402 = vector.multi_reduction <add>, %select_n3A_400, %reduce_sum3A_401 [0] : vector<80x128xf32> to vector<128xf32>
        %mul3A_403 = arith.constant 128 : i32
        %mul3A_404 = arith.muli %scan3A_359, %mul3A_403 : i32
        %swap3A_405 = arith.index_cast %mul3A_404 : i32 to index
        %swap3A_406 = vector.load %arg4[%swap3A_405] : memref<20480xf32, #tpu.memory_space<vmem>>, vector<128xf32>
        tpu.vector_store %arg4[%swap3A_405], %reduce_sum3A_402 {strides = array<i32>} : memref<20480xf32, #tpu.memory_space<vmem>>, vector<128xf32>,
        scf.yield %add3A_390 : vector<8x128xf32>
      }
      %scan3A_13 = arith.constant 160 : i32
      %eq3A_14 = arith.constant 0 : i32
      %eq3A_15 = arith.cmpi eq, %arg0, %eq3A_14 : i32
      %convert_element_type3A_16 = arith.extui %eq3A_15 : i1 to i32
      %cond3A_17 = arith.constant 0 : i32
      %cond3A_18 = arith.cmpi ne, %convert_element_type3A_16, %cond3A_17 : i32
      scf.if %cond3A_18 {
        %broadcast_in_dim3A_23 = arith.constant 0.000000e+00 : f32
        %broadcast_in_dim3A_24 = vector.broadcast %broadcast_in_dim3A_23 : f32 to vector<128xf32>
        %swap3A_25 = arith.constant 0 : index
        %swap3A_26 = vector.load %arg3[%swap3A_25] : memref<128xf32, #tpu.memory_space<vmem>>, vector<128xf32>
        tpu.vector_store %arg3[%swap3A_25], %broadcast_in_dim3A_24 {strides = array<i32>} : memref<128xf32, #tpu.memory_space<vmem>>, vector<128xf32>,
      } else {
      }
      %get3A = arith.constant 0 : index
      %get3A_19 = vector.load %arg3[%get3A] : memref<128xf32, #tpu.memory_space<vmem>>, vector<128xf32>
      %reduce_sum3A = arith.constant dense<0.000000e+00> : vector<128xf32>
      %reduce_sum3A_20 = vector.multi_reduction <add>, %scan3A_12, %reduce_sum3A [0] : vector<8x128xf32> to vector<128xf32>
      %add3A_21 = arith.addf %get3A_19, %reduce_sum3A_20 : vector<128xf32>
      %swap3A = arith.constant 0 : index
      %swap3A_22 = vector.load %arg3[%swap3A] : memref<128xf32, #tpu.memory_space<vmem>>, vector<128xf32>
      tpu.vector_store %arg3[%swap3A], %add3A_21 {strides = array<i32>} : memref<128xf32, #tpu.memory_space<vmem>>, vector<128xf32>,
    } else {
    }
    %eq3A = arith.constant 4 : i32
    %eq3A_5 = arith.cmpi eq, %arg0, %eq3A : i32
    %convert_element_type3A_6 = arith.extui %eq3A_5 : i1 to i32
    %cond3A_7 = arith.constant 0 : i32
    %cond3A_8 = arith.cmpi ne, %convert_element_type3A_6, %cond3A_7 : i32
    scf.if %cond3A_8 {
      %scan3A = arith.constant 0 : i32
      %scan3A_9 = arith.constant 160 : i32
      %scan3A_10 = arith.addi %scan3A, %scan3A_9 : i32
      %scan3A_11 = arith.constant 8 : i32
      %scan3A_12 = scf.for %scan3A_18 = %scan3A to %scan3A_10 step %scan3A_11 iter_args(%scan3A_19 = %broadcast_in_dim3A_2) -> (vector<8x128xf32>)  : i32 {
        %mul3A = arith.constant 128 : i32
        %mul3A_20 = arith.muli %scan3A_18, %mul3A : i32
        %get3A_21 = arith.constant 0 : index
        %get3A_22 = arith.index_cast %mul3A_20 : i32 to index
        %get3A_23 = vector.load %arg1[%get3A_21, %get3A_22] : memref<80x20480xf32, #tpu.memory_space<vmem>>, vector<80x128xf32>
        %mul3A_24 = arith.constant 5.000000e-01 : f32
        %mul3A_25 = vector.broadcast %mul3A_24 : f32 to vector<80x128xf32>
        %mul3A_26 = arith.mulf %get3A_23, %mul3A_25 : vector<80x128xf32>
        %tanh3A = math.tanh %mul3A_26 : vector<80x128xf32>
        %mul3A_27 = arith.constant 5.000000e-01 : f32
        %mul3A_28 = vector.broadcast %mul3A_27 : f32 to vector<80x128xf32>
        %mul3A_29 = arith.mulf %mul3A_28, %tanh3A : vector<80x128xf32>
        %add3A_30 = arith.constant 5.000000e-01 : f32
        %add3A_31 = vector.broadcast %add3A_30 : f32 to vector<80x128xf32>
        %add3A_32 = arith.addf %add3A_31, %mul3A_29 : vector<80x128xf32>
        %mul3A_33 = arith.constant 5.000000e-01 : f32
        %mul3A_34 = vector.broadcast %mul3A_33 : f32 to vector<80x128xf32>
        %mul3A_35 = arith.mulf %mul3A_34, %tanh3A : vector<80x128xf32>
        %sub3A = arith.constant 5.000000e-01 : f32
        %sub3A_36 = vector.broadcast %sub3A : f32 to vector<80x128xf32>
        %sub3A_37 = arith.subf %sub3A_36, %mul3A_35 : vector<80x128xf32>
        %log3A = math.log %sub3A_37 : vector<80x128xf32>
        %neg3A = arith.constant 0.000000e+00 : f32
        %neg3A_38 = vector.broadcast %neg3A : f32 to vector<80x128xf32>
        %neg3A_39 = arith.subf %neg3A_38, %log3A : vector<80x128xf32>
        %mul3A_40 = arith.mulf %neg3A_39, %add3A_32 : vector<80x128xf32>
        %mul3A_41 = arith.mulf %mul3A_40, %add3A_32 : vector<80x128xf32>
        %mul3A_42 = arith.constant 20480 : i32
        %mul3A_43 = arith.muli %arg0, %mul3A_42 : i32
        %mul3A_44 = arith.constant 128 : i32
        %mul3A_45 = arith.muli %scan3A_18, %mul3A_44 : i32
        %add3A_46 = arith.addi %mul3A_43, %mul3A_45 : i32
        %iota3A_47 = tpu.iota {dimensions = array<i32: 1>} : vector<1x128xi32>
        %add3A_48 = vector.broadcast %add3A_46 : i32 to vector<1x128xi32>
        %add3A_49 = arith.addi %add3A_48, %iota3A_47 : vector<1x128xi32>
        %lt3A_50 = arith.constant 100000 : i32
        %lt3A_51 = vector.broadcast %lt3A_50 : i32 to vector<1x128xi32>
        %lt3A_52 = arith.cmpi slt, %add3A_49, %lt3A_51 : vector<1x128xi32>
        %jit3A = arith.constant 0.000000e+00 : f32
        %broadcast_in_dim3A_53 = vector.shape_cast %lt3A_52 : vector<1x128xi1> to vector<1x128xi1>
        %broadcast_in_dim3A_54 = vector.broadcast %broadcast_in_dim3A_53 : vector<1x128xi1> to vector<80x128xi1>
        %broadcast_in_dim3A_55 = vector.broadcast %jit3A : f32 to vector<80x128xf32>
        %select_n3A = arith.select %broadcast_in_dim3A_54, %mul3A_41, %broadcast_in_dim3A_55 : vector<80x128xi1>, vector<80x128xf32>
        %reshape3A = vector.shape_cast %select_n3A : vector<80x128xf32> to vector<10x8x128xf32>
        %reduce_sum3A_56 = arith.constant dense<0.000000e+00> : vector<8x128xf32>
        %reduce_sum3A_57 = vector.multi_reduction <add>, %reshape3A, %reduce_sum3A_56 [0] : vector<10x8x128xf32> to vector<8x128xf32>
        %add3A_58 = arith.addf %scan3A_19, %reduce_sum3A_57 : vector<8x128xf32>
        %mul3A_59 = arith.constant 128 : i32
        %mul3A_60 = arith.muli %scan3A_18, %mul3A_59 : i32
        %get3A_61 = arith.index_cast %mul3A_60 : i32 to index
        %get3A_62 = vector.load %arg2[%get3A_61] : memref<20480xi32, #tpu.memory_space<vmem>>, vector<128xi32>
        %broadcast_in_dim3A_63 = vector.shape_cast %get3A_62 : vector<128xi32> to vector<1x128xi32>
        %eq3A_64 = vector.broadcast %broadcast_in_dim3A_63 : vector<1x128xi32> to vector<80x128xi32>
        %eq3A_65 = arith.cmpi eq, %add3A_1, %eq3A_64 : vector<80x128xi32>
        %jit3A_66 = arith.constant 0.000000e+00 : f32
        %broadcast_in_dim3A_67 = vector.broadcast %jit3A_66 : f32 to vector<80x128xf32>
        %select_n3A_68 = arith.select %eq3A_65, %get3A_23, %broadcast_in_dim3A_67 : vector<80x128xi1>, vector<80x128xf32>
        %reduce_sum3A_69 = arith.constant dense<0.000000e+00> : vector<128xf32>
        %reduce_sum3A_70 = vector.multi_reduction <add>, %select_n3A_68, %reduce_sum3A_69 [0] : vector<80x128xf32> to vector<128xf32>
        %mul3A_71 = arith.constant 128 : i32
        %mul3A_72 = arith.muli %scan3A_18, %mul3A_71 : i32
        %swap3A_73 = arith.index_cast %mul3A_72 : i32 to index
        %swap3A_74 = vector.load %arg4[%swap3A_73] : memref<20480xf32, #tpu.memory_space<vmem>>, vector<128xf32>
        tpu.vector_store %arg4[%swap3A_73], %reduce_sum3A_70 {strides = array<i32>} : memref<20480xf32, #tpu.memory_space<vmem>>, vector<128xf32>,
        %scan3A_75 = arith.constant 1 : i32
        %scan3A_76 = arith.addi %scan3A_18, %scan3A_75 : i32
        %mul3A_77 = arith.constant 128 : i32
        %mul3A_78 = arith.muli %scan3A_76, %mul3A_77 : i32
        %get3A_79 = arith.constant 0 : index
        %get3A_80 = arith.index_cast %mul3A_78 : i32 to index
        %get3A_81 = vector.load %arg1[%get3A_79, %get3A_80] : memref<80x20480xf32, #tpu.memory_space<vmem>>, vector<80x128xf32>
        %mul3A_82 = arith.constant 5.000000e-01 : f32
        %mul3A_83 = vector.broadcast %mul3A_82 : f32 to vector<80x128xf32>
        %mul3A_84 = arith.mulf %get3A_81, %mul3A_83 : vector<80x128xf32>
        %tanh3A_85 = math.tanh %mul3A_84 : vector<80x128xf32>
        %mul3A_86 = arith.constant 5.000000e-01 : f32
        %mul3A_87 = vector.broadcast %mul3A_86 : f32 to vector<80x128xf32>
        %mul3A_88 = arith.mulf %mul3A_87, %tanh3A_85 : vector<80x128xf32>
        %add3A_89 = arith.constant 5.000000e-01 : f32
        %add3A_90 = vector.broadcast %add3A_89 : f32 to vector<80x128xf32>
        %add3A_91 = arith.addf %add3A_90, %mul3A_88 : vector<80x128xf32>
        %mul3A_92 = arith.constant 5.000000e-01 : f32
        %mul3A_93 = vector.broadcast %mul3A_92 : f32 to vector<80x128xf32>
        %mul3A_94 = arith.mulf %mul3A_93, %tanh3A_85 : vector<80x128xf32>
        %sub3A_95 = arith.constant 5.000000e-01 : f32
        %sub3A_96 = vector.broadcast %sub3A_95 : f32 to vector<80x128xf32>
        %sub3A_97 = arith.subf %sub3A_96, %mul3A_94 : vector<80x128xf32>
        %log3A_98 = math.log %sub3A_97 : vector<80x128xf32>
        %neg3A_99 = arith.constant 0.000000e+00 : f32
        %neg3A_100 = vector.broadcast %neg3A_99 : f32 to vector<80x128xf32>
        %neg3A_101 = arith.subf %neg3A_100, %log3A_98 : vector<80x128xf32>
        %mul3A_102 = arith.mulf %neg3A_101, %add3A_91 : vector<80x128xf32>
        %mul3A_103 = arith.mulf %mul3A_102, %add3A_91 : vector<80x128xf32>
        %mul3A_104 = arith.constant 20480 : i32
        %mul3A_105 = arith.muli %arg0, %mul3A_104 : i32
        %mul3A_106 = arith.constant 128 : i32
        %mul3A_107 = arith.muli %scan3A_76, %mul3A_106 : i32
        %add3A_108 = arith.addi %mul3A_105, %mul3A_107 : i32
        %iota3A_109 = tpu.iota {dimensions = array<i32: 1>} : vector<1x128xi32>
        %add3A_110 = vector.broadcast %add3A_108 : i32 to vector<1x128xi32>
        %add3A_111 = arith.addi %add3A_110, %iota3A_109 : vector<1x128xi32>
        %lt3A_112 = arith.constant 100000 : i32
        %lt3A_113 = vector.broadcast %lt3A_112 : i32 to vector<1x128xi32>
        %lt3A_114 = arith.cmpi slt, %add3A_111, %lt3A_113 : vector<1x128xi32>
        %jit3A_115 = arith.constant 0.000000e+00 : f32
        %broadcast_in_dim3A_116 = vector.shape_cast %lt3A_114 : vector<1x128xi1> to vector<1x128xi1>
        %broadcast_in_dim3A_117 = vector.broadcast %broadcast_in_dim3A_116 : vector<1x128xi1> to vector<80x128xi1>
        %broadcast_in_dim3A_118 = vector.broadcast %jit3A_115 : f32 to vector<80x128xf32>
        %select_n3A_119 = arith.select %broadcast_in_dim3A_117, %mul3A_103, %broadcast_in_dim3A_118 : vector<80x128xi1>, vector<80x128xf32>
        %reshape3A_120 = vector.shape_cast %select_n3A_119 : vector<80x128xf32> to vector<10x8x128xf32>
        %reduce_sum3A_121 = arith.constant dense<0.000000e+00> : vector<8x128xf32>
        %reduce_sum3A_122 = vector.multi_reduction <add>, %reshape3A_120, %reduce_sum3A_121 [0] : vector<10x8x128xf32> to vector<8x128xf32>
        %add3A_123 = arith.addf %add3A_58, %reduce_sum3A_122 : vector<8x128xf32>
        %mul3A_124 = arith.constant 128 : i32
        %mul3A_125 = arith.muli %scan3A_76, %mul3A_124 : i32
        %get3A_126 = arith.index_cast %mul3A_125 : i32 to index
        %get3A_127 = vector.load %arg2[%get3A_126] : memref<20480xi32, #tpu.memory_space<vmem>>, vector<128xi32>
        %broadcast_in_dim3A_128 = vector.shape_cast %get3A_127 : vector<128xi32> to vector<1x128xi32>
        %eq3A_129 = vector.broadcast %broadcast_in_dim3A_128 : vector<1x128xi32> to vector<80x128xi32>
        %eq3A_130 = arith.cmpi eq, %add3A_1, %eq3A_129 : vector<80x128xi32>
        %jit3A_131 = arith.constant 0.000000e+00 : f32
        %broadcast_in_dim3A_132 = vector.broadcast %jit3A_131 : f32 to vector<80x128xf32>
        %select_n3A_133 = arith.select %eq3A_130, %get3A_81, %broadcast_in_dim3A_132 : vector<80x128xi1>, vector<80x128xf32>
        %reduce_sum3A_134 = arith.constant dense<0.000000e+00> : vector<128xf32>
        %reduce_sum3A_135 = vector.multi_reduction <add>, %select_n3A_133, %reduce_sum3A_134 [0] : vector<80x128xf32> to vector<128xf32>
        %mul3A_136 = arith.constant 128 : i32
        %mul3A_137 = arith.muli %scan3A_76, %mul3A_136 : i32
        %swap3A_138 = arith.index_cast %mul3A_137 : i32 to index
        %swap3A_139 = vector.load %arg4[%swap3A_138] : memref<20480xf32, #tpu.memory_space<vmem>>, vector<128xf32>
        tpu.vector_store %arg4[%swap3A_138], %reduce_sum3A_135 {strides = array<i32>} : memref<20480xf32, #tpu.memory_space<vmem>>, vector<128xf32>,
        %scan3A_140 = arith.constant 2 : i32
        %scan3A_141 = arith.addi %scan3A_18, %scan3A_140 : i32
        %mul3A_142 = arith.constant 128 : i32
        %mul3A_143 = arith.muli %scan3A_141, %mul3A_142 : i32
        %get3A_144 = arith.constant 0 : index
        %get3A_145 = arith.index_cast %mul3A_143 : i32 to index
        %get3A_146 = vector.load %arg1[%get3A_144, %get3A_145] : memref<80x20480xf32, #tpu.memory_space<vmem>>, vector<80x128xf32>
        %mul3A_147 = arith.constant 5.000000e-01 : f32
        %mul3A_148 = vector.broadcast %mul3A_147 : f32 to vector<80x128xf32>
        %mul3A_149 = arith.mulf %get3A_146, %mul3A_148 : vector<80x128xf32>
        %tanh3A_150 = math.tanh %mul3A_149 : vector<80x128xf32>
        %mul3A_151 = arith.constant 5.000000e-01 : f32
        %mul3A_152 = vector.broadcast %mul3A_151 : f32 to vector<80x128xf32>
        %mul3A_153 = arith.mulf %mul3A_152, %tanh3A_150 : vector<80x128xf32>
        %add3A_154 = arith.constant 5.000000e-01 : f32
        %add3A_155 = vector.broadcast %add3A_154 : f32 to vector<80x128xf32>
        %add3A_156 = arith.addf %add3A_155, %mul3A_153 : vector<80x128xf32>
        %mul3A_157 = arith.constant 5.000000e-01 : f32
        %mul3A_158 = vector.broadcast %mul3A_157 : f32 to vector<80x128xf32>
        %mul3A_159 = arith.mulf %mul3A_158, %tanh3A_150 : vector<80x128xf32>
        %sub3A_160 = arith.constant 5.000000e-01 : f32
        %sub3A_161 = vector.broadcast %sub3A_160 : f32 to vector<80x128xf32>
        %sub3A_162 = arith.subf %sub3A_161, %mul3A_159 : vector<80x128xf32>
        %log3A_163 = math.log %sub3A_162 : vector<80x128xf32>
        %neg3A_164 = arith.constant 0.000000e+00 : f32
        %neg3A_165 = vector.broadcast %neg3A_164 : f32 to vector<80x128xf32>
        %neg3A_166 = arith.subf %neg3A_165, %log3A_163 : vector<80x128xf32>
        %mul3A_167 = arith.mulf %neg3A_166, %add3A_156 : vector<80x128xf32>
        %mul3A_168 = arith.mulf %mul3A_167, %add3A_156 : vector<80x128xf32>
        %mul3A_169 = arith.constant 20480 : i32
        %mul3A_170 = arith.muli %arg0, %mul3A_169 : i32
        %mul3A_171 = arith.constant 128 : i32
        %mul3A_172 = arith.muli %scan3A_141, %mul3A_171 : i32
        %add3A_173 = arith.addi %mul3A_170, %mul3A_172 : i32
        %iota3A_174 = tpu.iota {dimensions = array<i32: 1>} : vector<1x128xi32>
        %add3A_175 = vector.broadcast %add3A_173 : i32 to vector<1x128xi32>
        %add3A_176 = arith.addi %add3A_175, %iota3A_174 : vector<1x128xi32>
        %lt3A_177 = arith.constant 100000 : i32
        %lt3A_178 = vector.broadcast %lt3A_177 : i32 to vector<1x128xi32>
        %lt3A_179 = arith.cmpi slt, %add3A_176, %lt3A_178 : vector<1x128xi32>
        %jit3A_180 = arith.constant 0.000000e+00 : f32
        %broadcast_in_dim3A_181 = vector.shape_cast %lt3A_179 : vector<1x128xi1> to vector<1x128xi1>
        %broadcast_in_dim3A_182 = vector.broadcast %broadcast_in_dim3A_181 : vector<1x128xi1> to vector<80x128xi1>
        %broadcast_in_dim3A_183 = vector.broadcast %jit3A_180 : f32 to vector<80x128xf32>
        %select_n3A_184 = arith.select %broadcast_in_dim3A_182, %mul3A_168, %broadcast_in_dim3A_183 : vector<80x128xi1>, vector<80x128xf32>
        %reshape3A_185 = vector.shape_cast %select_n3A_184 : vector<80x128xf32> to vector<10x8x128xf32>
        %reduce_sum3A_186 = arith.constant dense<0.000000e+00> : vector<8x128xf32>
        %reduce_sum3A_187 = vector.multi_reduction <add>, %reshape3A_185, %reduce_sum3A_186 [0] : vector<10x8x128xf32> to vector<8x128xf32>
        %add3A_188 = arith.addf %add3A_123, %reduce_sum3A_187 : vector<8x128xf32>
        %mul3A_189 = arith.constant 128 : i32
        %mul3A_190 = arith.muli %scan3A_141, %mul3A_189 : i32
        %get3A_191 = arith.index_cast %mul3A_190 : i32 to index
        %get3A_192 = vector.load %arg2[%get3A_191] : memref<20480xi32, #tpu.memory_space<vmem>>, vector<128xi32>
        %broadcast_in_dim3A_193 = vector.shape_cast %get3A_192 : vector<128xi32> to vector<1x128xi32>
        %eq3A_194 = vector.broadcast %broadcast_in_dim3A_193 : vector<1x128xi32> to vector<80x128xi32>
        %eq3A_195 = arith.cmpi eq, %add3A_1, %eq3A_194 : vector<80x128xi32>
        %jit3A_196 = arith.constant 0.000000e+00 : f32
        %broadcast_in_dim3A_197 = vector.broadcast %jit3A_196 : f32 to vector<80x128xf32>
        %select_n3A_198 = arith.select %eq3A_195, %get3A_146, %broadcast_in_dim3A_197 : vector<80x128xi1>, vector<80x128xf32>
        %reduce_sum3A_199 = arith.constant dense<0.000000e+00> : vector<128xf32>
        %reduce_sum3A_200 = vector.multi_reduction <add>, %select_n3A_198, %reduce_sum3A_199 [0] : vector<80x128xf32> to vector<128xf32>
        %mul3A_201 = arith.constant 128 : i32
        %mul3A_202 = arith.muli %scan3A_141, %mul3A_201 : i32
        %swap3A_203 = arith.index_cast %mul3A_202 : i32 to index
        %swap3A_204 = vector.load %arg4[%swap3A_203] : memref<20480xf32, #tpu.memory_space<vmem>>, vector<128xf32>
        tpu.vector_store %arg4[%swap3A_203], %reduce_sum3A_200 {strides = array<i32>} : memref<20480xf32, #tpu.memory_space<vmem>>, vector<128xf32>,
        %scan3A_205 = arith.constant 3 : i32
        %scan3A_206 = arith.addi %scan3A_18, %scan3A_205 : i32
        %mul3A_207 = arith.constant 128 : i32
        %mul3A_208 = arith.muli %scan3A_206, %mul3A_207 : i32
        %get3A_209 = arith.constant 0 : index
        %get3A_210 = arith.index_cast %mul3A_208 : i32 to index
        %get3A_211 = vector.load %arg1[%get3A_209, %get3A_210] : memref<80x20480xf32, #tpu.memory_space<vmem>>, vector<80x128xf32>
        %mul3A_212 = arith.constant 5.000000e-01 : f32
        %mul3A_213 = vector.broadcast %mul3A_212 : f32 to vector<80x128xf32>
        %mul3A_214 = arith.mulf %get3A_211, %mul3A_213 : vector<80x128xf32>
        %tanh3A_215 = math.tanh %mul3A_214 : vector<80x128xf32>
        %mul3A_216 = arith.constant 5.000000e-01 : f32
        %mul3A_217 = vector.broadcast %mul3A_216 : f32 to vector<80x128xf32>
        %mul3A_218 = arith.mulf %mul3A_217, %tanh3A_215 : vector<80x128xf32>
        %add3A_219 = arith.constant 5.000000e-01 : f32
        %add3A_220 = vector.broadcast %add3A_219 : f32 to vector<80x128xf32>
        %add3A_221 = arith.addf %add3A_220, %mul3A_218 : vector<80x128xf32>
        %mul3A_222 = arith.constant 5.000000e-01 : f32
        %mul3A_223 = vector.broadcast %mul3A_222 : f32 to vector<80x128xf32>
        %mul3A_224 = arith.mulf %mul3A_223, %tanh3A_215 : vector<80x128xf32>
        %sub3A_225 = arith.constant 5.000000e-01 : f32
        %sub3A_226 = vector.broadcast %sub3A_225 : f32 to vector<80x128xf32>
        %sub3A_227 = arith.subf %sub3A_226, %mul3A_224 : vector<80x128xf32>
        %log3A_228 = math.log %sub3A_227 : vector<80x128xf32>
        %neg3A_229 = arith.constant 0.000000e+00 : f32
        %neg3A_230 = vector.broadcast %neg3A_229 : f32 to vector<80x128xf32>
        %neg3A_231 = arith.subf %neg3A_230, %log3A_228 : vector<80x128xf32>
        %mul3A_232 = arith.mulf %neg3A_231, %add3A_221 : vector<80x128xf32>
        %mul3A_233 = arith.mulf %mul3A_232, %add3A_221 : vector<80x128xf32>
        %mul3A_234 = arith.constant 20480 : i32
        %mul3A_235 = arith.muli %arg0, %mul3A_234 : i32
        %mul3A_236 = arith.constant 128 : i32
        %mul3A_237 = arith.muli %scan3A_206, %mul3A_236 : i32
        %add3A_238 = arith.addi %mul3A_235, %mul3A_237 : i32
        %iota3A_239 = tpu.iota {dimensions = array<i32: 1>} : vector<1x128xi32>
        %add3A_240 = vector.broadcast %add3A_238 : i32 to vector<1x128xi32>
        %add3A_241 = arith.addi %add3A_240, %iota3A_239 : vector<1x128xi32>
        %lt3A_242 = arith.constant 100000 : i32
        %lt3A_243 = vector.broadcast %lt3A_242 : i32 to vector<1x128xi32>
        %lt3A_244 = arith.cmpi slt, %add3A_241, %lt3A_243 : vector<1x128xi32>
        %jit3A_245 = arith.constant 0.000000e+00 : f32
        %broadcast_in_dim3A_246 = vector.shape_cast %lt3A_244 : vector<1x128xi1> to vector<1x128xi1>
        %broadcast_in_dim3A_247 = vector.broadcast %broadcast_in_dim3A_246 : vector<1x128xi1> to vector<80x128xi1>
        %broadcast_in_dim3A_248 = vector.broadcast %jit3A_245 : f32 to vector<80x128xf32>
        %select_n3A_249 = arith.select %broadcast_in_dim3A_247, %mul3A_233, %broadcast_in_dim3A_248 : vector<80x128xi1>, vector<80x128xf32>
        %reshape3A_250 = vector.shape_cast %select_n3A_249 : vector<80x128xf32> to vector<10x8x128xf32>
        %reduce_sum3A_251 = arith.constant dense<0.000000e+00> : vector<8x128xf32>
        %reduce_sum3A_252 = vector.multi_reduction <add>, %reshape3A_250, %reduce_sum3A_251 [0] : vector<10x8x128xf32> to vector<8x128xf32>
        %add3A_253 = arith.addf %add3A_188, %reduce_sum3A_252 : vector<8x128xf32>
        %mul3A_254 = arith.constant 128 : i32
        %mul3A_255 = arith.muli %scan3A_206, %mul3A_254 : i32
        %get3A_256 = arith.index_cast %mul3A_255 : i32 to index
        %get3A_257 = vector.load %arg2[%get3A_256] : memref<20480xi32, #tpu.memory_space<vmem>>, vector<128xi32>
        %broadcast_in_dim3A_258 = vector.shape_cast %get3A_257 : vector<128xi32> to vector<1x128xi32>
        %eq3A_259 = vector.broadcast %broadcast_in_dim3A_258 : vector<1x128xi32> to vector<80x128xi32>
        %eq3A_260 = arith.cmpi eq, %add3A_1, %eq3A_259 : vector<80x128xi32>
        %jit3A_261 = arith.constant 0.000000e+00 : f32
        %broadcast_in_dim3A_262 = vector.broadcast %jit3A_261 : f32 to vector<80x128xf32>
        %select_n3A_263 = arith.select %eq3A_260, %get3A_211, %broadcast_in_dim3A_262 : vector<80x128xi1>, vector<80x128xf32>
        %reduce_sum3A_264 = arith.constant dense<0.000000e+00> : vector<128xf32>
        %reduce_sum3A_265 = vector.multi_reduction <add>, %select_n3A_263, %reduce_sum3A_264 [0] : vector<80x128xf32> to vector<128xf32>
        %mul3A_266 = arith.constant 128 : i32
        %mul3A_267 = arith.muli %scan3A_206, %mul3A_266 : i32
        %swap3A_268 = arith.index_cast %mul3A_267 : i32 to index
        %swap3A_269 = vector.load %arg4[%swap3A_268] : memref<20480xf32, #tpu.memory_space<vmem>>, vector<128xf32>
        tpu.vector_store %arg4[%swap3A_268], %reduce_sum3A_265 {strides = array<i32>} : memref<20480xf32, #tpu.memory_space<vmem>>, vector<128xf32>,
        %scan3A_270 = arith.constant 4 : i32
        %scan3A_271 = arith.addi %scan3A_18, %scan3A_270 : i32
        %mul3A_272 = arith.constant 128 : i32
        %mul3A_273 = arith.muli %scan3A_271, %mul3A_272 : i32
        %get3A_274 = arith.constant 0 : index
        %get3A_275 = arith.index_cast %mul3A_273 : i32 to index
        %get3A_276 = vector.load %arg1[%get3A_274, %get3A_275] : memref<80x20480xf32, #tpu.memory_space<vmem>>, vector<80x128xf32>
        %mul3A_277 = arith.constant 5.000000e-01 : f32
        %mul3A_278 = vector.broadcast %mul3A_277 : f32 to vector<80x128xf32>
        %mul3A_279 = arith.mulf %get3A_276, %mul3A_278 : vector<80x128xf32>
        %tanh3A_280 = math.tanh %mul3A_279 : vector<80x128xf32>
        %mul3A_281 = arith.constant 5.000000e-01 : f32
        %mul3A_282 = vector.broadcast %mul3A_281 : f32 to vector<80x128xf32>
        %mul3A_283 = arith.mulf %mul3A_282, %tanh3A_280 : vector<80x128xf32>
        %add3A_284 = arith.constant 5.000000e-01 : f32
        %add3A_285 = vector.broadcast %add3A_284 : f32 to vector<80x128xf32>
        %add3A_286 = arith.addf %add3A_285, %mul3A_283 : vector<80x128xf32>
        %mul3A_287 = arith.constant 5.000000e-01 : f32
        %mul3A_288 = vector.broadcast %mul3A_287 : f32 to vector<80x128xf32>
        %mul3A_289 = arith.mulf %mul3A_288, %tanh3A_280 : vector<80x128xf32>
        %sub3A_290 = arith.constant 5.000000e-01 : f32
        %sub3A_291 = vector.broadcast %sub3A_290 : f32 to vector<80x128xf32>
        %sub3A_292 = arith.subf %sub3A_291, %mul3A_289 : vector<80x128xf32>
        %log3A_293 = math.log %sub3A_292 : vector<80x128xf32>
        %neg3A_294 = arith.constant 0.000000e+00 : f32
        %neg3A_295 = vector.broadcast %neg3A_294 : f32 to vector<80x128xf32>
        %neg3A_296 = arith.subf %neg3A_295, %log3A_293 : vector<80x128xf32>
        %mul3A_297 = arith.mulf %neg3A_296, %add3A_286 : vector<80x128xf32>
        %mul3A_298 = arith.mulf %mul3A_297, %add3A_286 : vector<80x128xf32>
        %mul3A_299 = arith.constant 20480 : i32
        %mul3A_300 = arith.muli %arg0, %mul3A_299 : i32
        %mul3A_301 = arith.constant 128 : i32
        %mul3A_302 = arith.muli %scan3A_271, %mul3A_301 : i32
        %add3A_303 = arith.addi %mul3A_300, %mul3A_302 : i32
        %iota3A_304 = tpu.iota {dimensions = array<i32: 1>} : vector<1x128xi32>
        %add3A_305 = vector.broadcast %add3A_303 : i32 to vector<1x128xi32>
        %add3A_306 = arith.addi %add3A_305, %iota3A_304 : vector<1x128xi32>
        %lt3A_307 = arith.constant 100000 : i32
        %lt3A_308 = vector.broadcast %lt3A_307 : i32 to vector<1x128xi32>
        %lt3A_309 = arith.cmpi slt, %add3A_306, %lt3A_308 : vector<1x128xi32>
        %jit3A_310 = arith.constant 0.000000e+00 : f32
        %broadcast_in_dim3A_311 = vector.shape_cast %lt3A_309 : vector<1x128xi1> to vector<1x128xi1>
        %broadcast_in_dim3A_312 = vector.broadcast %broadcast_in_dim3A_311 : vector<1x128xi1> to vector<80x128xi1>
        %broadcast_in_dim3A_313 = vector.broadcast %jit3A_310 : f32 to vector<80x128xf32>
        %select_n3A_314 = arith.select %broadcast_in_dim3A_312, %mul3A_298, %broadcast_in_dim3A_313 : vector<80x128xi1>, vector<80x128xf32>
        %reshape3A_315 = vector.shape_cast %select_n3A_314 : vector<80x128xf32> to vector<10x8x128xf32>
        %reduce_sum3A_316 = arith.constant dense<0.000000e+00> : vector<8x128xf32>
        %reduce_sum3A_317 = vector.multi_reduction <add>, %reshape3A_315, %reduce_sum3A_316 [0] : vector<10x8x128xf32> to vector<8x128xf32>
        %add3A_318 = arith.addf %add3A_253, %reduce_sum3A_317 : vector<8x128xf32>
        %mul3A_319 = arith.constant 128 : i32
        %mul3A_320 = arith.muli %scan3A_271, %mul3A_319 : i32
        %get3A_321 = arith.index_cast %mul3A_320 : i32 to index
        %get3A_322 = vector.load %arg2[%get3A_321] : memref<20480xi32, #tpu.memory_space<vmem>>, vector<128xi32>
        %broadcast_in_dim3A_323 = vector.shape_cast %get3A_322 : vector<128xi32> to vector<1x128xi32>
        %eq3A_324 = vector.broadcast %broadcast_in_dim3A_323 : vector<1x128xi32> to vector<80x128xi32>
        %eq3A_325 = arith.cmpi eq, %add3A_1, %eq3A_324 : vector<80x128xi32>
        %jit3A_326 = arith.constant 0.000000e+00 : f32
        %broadcast_in_dim3A_327 = vector.broadcast %jit3A_326 : f32 to vector<80x128xf32>
        %select_n3A_328 = arith.select %eq3A_325, %get3A_276, %broadcast_in_dim3A_327 : vector<80x128xi1>, vector<80x128xf32>
        %reduce_sum3A_329 = arith.constant dense<0.000000e+00> : vector<128xf32>
        %reduce_sum3A_330 = vector.multi_reduction <add>, %select_n3A_328, %reduce_sum3A_329 [0] : vector<80x128xf32> to vector<128xf32>
        %mul3A_331 = arith.constant 128 : i32
        %mul3A_332 = arith.muli %scan3A_271, %mul3A_331 : i32
        %swap3A_333 = arith.index_cast %mul3A_332 : i32 to index
        %swap3A_334 = vector.load %arg4[%swap3A_333] : memref<20480xf32, #tpu.memory_space<vmem>>, vector<128xf32>
        tpu.vector_store %arg4[%swap3A_333], %reduce_sum3A_330 {strides = array<i32>} : memref<20480xf32, #tpu.memory_space<vmem>>, vector<128xf32>,
        %scan3A_335 = arith.constant 5 : i32
        %scan3A_336 = arith.addi %scan3A_18, %scan3A_335 : i32
        %mul3A_337 = arith.constant 128 : i32
        %mul3A_338 = arith.muli %scan3A_336, %mul3A_337 : i32
        %get3A_339 = arith.constant 0 : index
        %get3A_340 = arith.index_cast %mul3A_338 : i32 to index
        %get3A_341 = vector.load %arg1[%get3A_339, %get3A_340] : memref<80x20480xf32, #tpu.memory_space<vmem>>, vector<80x128xf32>
        %mul3A_342 = arith.constant 5.000000e-01 : f32
        %mul3A_343 = vector.broadcast %mul3A_342 : f32 to vector<80x128xf32>
        %mul3A_344 = arith.mulf %get3A_341, %mul3A_343 : vector<80x128xf32>
        %tanh3A_345 = math.tanh %mul3A_344 : vector<80x128xf32>
        %mul3A_346 = arith.constant 5.000000e-01 : f32
        %mul3A_347 = vector.broadcast %mul3A_346 : f32 to vector<80x128xf32>
        %mul3A_348 = arith.mulf %mul3A_347, %tanh3A_345 : vector<80x128xf32>
        %add3A_349 = arith.constant 5.000000e-01 : f32
        %add3A_350 = vector.broadcast %add3A_349 : f32 to vector<80x128xf32>
        %add3A_351 = arith.addf %add3A_350, %mul3A_348 : vector<80x128xf32>
        %mul3A_352 = arith.constant 5.000000e-01 : f32
        %mul3A_353 = vector.broadcast %mul3A_352 : f32 to vector<80x128xf32>
        %mul3A_354 = arith.mulf %mul3A_353, %tanh3A_345 : vector<80x128xf32>
        %sub3A_355 = arith.constant 5.000000e-01 : f32
        %sub3A_356 = vector.broadcast %sub3A_355 : f32 to vector<80x128xf32>
        %sub3A_357 = arith.subf %sub3A_356, %mul3A_354 : vector<80x128xf32>
        %log3A_358 = math.log %sub3A_357 : vector<80x128xf32>
        %neg3A_359 = arith.constant 0.000000e+00 : f32
        %neg3A_360 = vector.broadcast %neg3A_359 : f32 to vector<80x128xf32>
        %neg3A_361 = arith.subf %neg3A_360, %log3A_358 : vector<80x128xf32>
        %mul3A_362 = arith.mulf %neg3A_361, %add3A_351 : vector<80x128xf32>
        %mul3A_363 = arith.mulf %mul3A_362, %add3A_351 : vector<80x128xf32>
        %mul3A_364 = arith.constant 20480 : i32
        %mul3A_365 = arith.muli %arg0, %mul3A_364 : i32
        %mul3A_366 = arith.constant 128 : i32
        %mul3A_367 = arith.muli %scan3A_336, %mul3A_366 : i32
        %add3A_368 = arith.addi %mul3A_365, %mul3A_367 : i32
        %iota3A_369 = tpu.iota {dimensions = array<i32: 1>} : vector<1x128xi32>
        %add3A_370 = vector.broadcast %add3A_368 : i32 to vector<1x128xi32>
        %add3A_371 = arith.addi %add3A_370, %iota3A_369 : vector<1x128xi32>
        %lt3A_372 = arith.constant 100000 : i32
        %lt3A_373 = vector.broadcast %lt3A_372 : i32 to vector<1x128xi32>
        %lt3A_374 = arith.cmpi slt, %add3A_371, %lt3A_373 : vector<1x128xi32>
        %jit3A_375 = arith.constant 0.000000e+00 : f32
        %broadcast_in_dim3A_376 = vector.shape_cast %lt3A_374 : vector<1x128xi1> to vector<1x128xi1>
        %broadcast_in_dim3A_377 = vector.broadcast %broadcast_in_dim3A_376 : vector<1x128xi1> to vector<80x128xi1>
        %broadcast_in_dim3A_378 = vector.broadcast %jit3A_375 : f32 to vector<80x128xf32>
        %select_n3A_379 = arith.select %broadcast_in_dim3A_377, %mul3A_363, %broadcast_in_dim3A_378 : vector<80x128xi1>, vector<80x128xf32>
        %reshape3A_380 = vector.shape_cast %select_n3A_379 : vector<80x128xf32> to vector<10x8x128xf32>
        %reduce_sum3A_381 = arith.constant dense<0.000000e+00> : vector<8x128xf32>
        %reduce_sum3A_382 = vector.multi_reduction <add>, %reshape3A_380, %reduce_sum3A_381 [0] : vector<10x8x128xf32> to vector<8x128xf32>
        %add3A_383 = arith.addf %add3A_318, %reduce_sum3A_382 : vector<8x128xf32>
        %mul3A_384 = arith.constant 128 : i32
        %mul3A_385 = arith.muli %scan3A_336, %mul3A_384 : i32
        %get3A_386 = arith.index_cast %mul3A_385 : i32 to index
        %get3A_387 = vector.load %arg2[%get3A_386] : memref<20480xi32, #tpu.memory_space<vmem>>, vector<128xi32>
        %broadcast_in_dim3A_388 = vector.shape_cast %get3A_387 : vector<128xi32> to vector<1x128xi32>
        %eq3A_389 = vector.broadcast %broadcast_in_dim3A_388 : vector<1x128xi32> to vector<80x128xi32>
        %eq3A_390 = arith.cmpi eq, %add3A_1, %eq3A_389 : vector<80x128xi32>
        %jit3A_391 = arith.constant 0.000000e+00 : f32
        %broadcast_in_dim3A_392 = vector.broadcast %jit3A_391 : f32 to vector<80x128xf32>
        %select_n3A_393 = arith.select %eq3A_390, %get3A_341, %broadcast_in_dim3A_392 : vector<80x128xi1>, vector<80x128xf32>
        %reduce_sum3A_394 = arith.constant dense<0.000000e+00> : vector<128xf32>
        %reduce_sum3A_395 = vector.multi_reduction <add>, %select_n3A_393, %reduce_sum3A_394 [0] : vector<80x128xf32> to vector<128xf32>
        %mul3A_396 = arith.constant 128 : i32
        %mul3A_397 = arith.muli %scan3A_336, %mul3A_396 : i32
        %swap3A_398 = arith.index_cast %mul3A_397 : i32 to index
        %swap3A_399 = vector.load %arg4[%swap3A_398] : memref<20480xf32, #tpu.memory_space<vmem>>, vector<128xf32>
        tpu.vector_store %arg4[%swap3A_398], %reduce_sum3A_395 {strides = array<i32>} : memref<20480xf32, #tpu.memory_space<vmem>>, vector<128xf32>,
        %scan3A_400 = arith.constant 6 : i32
        %scan3A_401 = arith.addi %scan3A_18, %scan3A_400 : i32
        %mul3A_402 = arith.constant 128 : i32
        %mul3A_403 = arith.muli %scan3A_401, %mul3A_402 : i32
        %get3A_404 = arith.constant 0 : index
        %get3A_405 = arith.index_cast %mul3A_403 : i32 to index
        %get3A_406 = vector.load %arg1[%get3A_404, %get3A_405] : memref<80x20480xf32, #tpu.memory_space<vmem>>, vector<80x128xf32>
        %mul3A_407 = arith.constant 5.000000e-01 : f32
        %mul3A_408 = vector.broadcast %mul3A_407 : f32 to vector<80x128xf32>
        %mul3A_409 = arith.mulf %get3A_406, %mul3A_408 : vector<80x128xf32>
        %tanh3A_410 = math.tanh %mul3A_409 : vector<80x128xf32>
        %mul3A_411 = arith.constant 5.000000e-01 : f32
        %mul3A_412 = vector.broadcast %mul3A_411 : f32 to vector<80x128xf32>
        %mul3A_413 = arith.mulf %mul3A_412, %tanh3A_410 : vector<80x128xf32>
        %add3A_414 = arith.constant 5.000000e-01 : f32
        %add3A_415 = vector.broadcast %add3A_414 : f32 to vector<80x128xf32>
        %add3A_416 = arith.addf %add3A_415, %mul3A_413 : vector<80x128xf32>
        %mul3A_417 = arith.constant 5.000000e-01 : f32
        %mul3A_418 = vector.broadcast %mul3A_417 : f32 to vector<80x128xf32>
        %mul3A_419 = arith.mulf %mul3A_418, %tanh3A_410 : vector<80x128xf32>
        %sub3A_420 = arith.constant 5.000000e-01 : f32
        %sub3A_421 = vector.broadcast %sub3A_420 : f32 to vector<80x128xf32>
        %sub3A_422 = arith.subf %sub3A_421, %mul3A_419 : vector<80x128xf32>
        %log3A_423 = math.log %sub3A_422 : vector<80x128xf32>
        %neg3A_424 = arith.constant 0.000000e+00 : f32
        %neg3A_425 = vector.broadcast %neg3A_424 : f32 to vector<80x128xf32>
        %neg3A_426 = arith.subf %neg3A_425, %log3A_423 : vector<80x128xf32>
        %mul3A_427 = arith.mulf %neg3A_426, %add3A_416 : vector<80x128xf32>
        %mul3A_428 = arith.mulf %mul3A_427, %add3A_416 : vector<80x128xf32>
        %mul3A_429 = arith.constant 20480 : i32
        %mul3A_430 = arith.muli %arg0, %mul3A_429 : i32
        %mul3A_431 = arith.constant 128 : i32
        %mul3A_432 = arith.muli %scan3A_401, %mul3A_431 : i32
        %add3A_433 = arith.addi %mul3A_430, %mul3A_432 : i32
        %iota3A_434 = tpu.iota {dimensions = array<i32: 1>} : vector<1x128xi32>
        %add3A_435 = vector.broadcast %add3A_433 : i32 to vector<1x128xi32>
        %add3A_436 = arith.addi %add3A_435, %iota3A_434 : vector<1x128xi32>
        %lt3A_437 = arith.constant 100000 : i32
        %lt3A_438 = vector.broadcast %lt3A_437 : i32 to vector<1x128xi32>
        %lt3A_439 = arith.cmpi slt, %add3A_436, %lt3A_438 : vector<1x128xi32>
        %jit3A_440 = arith.constant 0.000000e+00 : f32
        %broadcast_in_dim3A_441 = vector.shape_cast %lt3A_439 : vector<1x128xi1> to vector<1x128xi1>
        %broadcast_in_dim3A_442 = vector.broadcast %broadcast_in_dim3A_441 : vector<1x128xi1> to vector<80x128xi1>
        %broadcast_in_dim3A_443 = vector.broadcast %jit3A_440 : f32 to vector<80x128xf32>
        %select_n3A_444 = arith.select %broadcast_in_dim3A_442, %mul3A_428, %broadcast_in_dim3A_443 : vector<80x128xi1>, vector<80x128xf32>
        %reshape3A_445 = vector.shape_cast %select_n3A_444 : vector<80x128xf32> to vector<10x8x128xf32>
        %reduce_sum3A_446 = arith.constant dense<0.000000e+00> : vector<8x128xf32>
        %reduce_sum3A_447 = vector.multi_reduction <add>, %reshape3A_445, %reduce_sum3A_446 [0] : vector<10x8x128xf32> to vector<8x128xf32>
        %add3A_448 = arith.addf %add3A_383, %reduce_sum3A_447 : vector<8x128xf32>
        %mul3A_449 = arith.constant 128 : i32
        %mul3A_450 = arith.muli %scan3A_401, %mul3A_449 : i32
        %get3A_451 = arith.index_cast %mul3A_450 : i32 to index
        %get3A_452 = vector.load %arg2[%get3A_451] : memref<20480xi32, #tpu.memory_space<vmem>>, vector<128xi32>
        %broadcast_in_dim3A_453 = vector.shape_cast %get3A_452 : vector<128xi32> to vector<1x128xi32>
        %eq3A_454 = vector.broadcast %broadcast_in_dim3A_453 : vector<1x128xi32> to vector<80x128xi32>
        %eq3A_455 = arith.cmpi eq, %add3A_1, %eq3A_454 : vector<80x128xi32>
        %jit3A_456 = arith.constant 0.000000e+00 : f32
        %broadcast_in_dim3A_457 = vector.broadcast %jit3A_456 : f32 to vector<80x128xf32>
        %select_n3A_458 = arith.select %eq3A_455, %get3A_406, %broadcast_in_dim3A_457 : vector<80x128xi1>, vector<80x128xf32>
        %reduce_sum3A_459 = arith.constant dense<0.000000e+00> : vector<128xf32>
        %reduce_sum3A_460 = vector.multi_reduction <add>, %select_n3A_458, %reduce_sum3A_459 [0] : vector<80x128xf32> to vector<128xf32>
        %mul3A_461 = arith.constant 128 : i32
        %mul3A_462 = arith.muli %scan3A_401, %mul3A_461 : i32
        %swap3A_463 = arith.index_cast %mul3A_462 : i32 to index
        %swap3A_464 = vector.load %arg4[%swap3A_463] : memref<20480xf32, #tpu.memory_space<vmem>>, vector<128xf32>
        tpu.vector_store %arg4[%swap3A_463], %reduce_sum3A_460 {strides = array<i32>} : memref<20480xf32, #tpu.memory_space<vmem>>, vector<128xf32>,
        %scan3A_465 = arith.constant 7 : i32
        %scan3A_466 = arith.addi %scan3A_18, %scan3A_465 : i32
        %mul3A_467 = arith.constant 128 : i32
        %mul3A_468 = arith.muli %scan3A_466, %mul3A_467 : i32
        %get3A_469 = arith.constant 0 : index
        %get3A_470 = arith.index_cast %mul3A_468 : i32 to index
        %get3A_471 = vector.load %arg1[%get3A_469, %get3A_470] : memref<80x20480xf32, #tpu.memory_space<vmem>>, vector<80x128xf32>
        %mul3A_472 = arith.constant 5.000000e-01 : f32
        %mul3A_473 = vector.broadcast %mul3A_472 : f32 to vector<80x128xf32>
        %mul3A_474 = arith.mulf %get3A_471, %mul3A_473 : vector<80x128xf32>
        %tanh3A_475 = math.tanh %mul3A_474 : vector<80x128xf32>
        %mul3A_476 = arith.constant 5.000000e-01 : f32
        %mul3A_477 = vector.broadcast %mul3A_476 : f32 to vector<80x128xf32>
        %mul3A_478 = arith.mulf %mul3A_477, %tanh3A_475 : vector<80x128xf32>
        %add3A_479 = arith.constant 5.000000e-01 : f32
        %add3A_480 = vector.broadcast %add3A_479 : f32 to vector<80x128xf32>
        %add3A_481 = arith.addf %add3A_480, %mul3A_478 : vector<80x128xf32>
        %mul3A_482 = arith.constant 5.000000e-01 : f32
        %mul3A_483 = vector.broadcast %mul3A_482 : f32 to vector<80x128xf32>
        %mul3A_484 = arith.mulf %mul3A_483, %tanh3A_475 : vector<80x128xf32>
        %sub3A_485 = arith.constant 5.000000e-01 : f32
        %sub3A_486 = vector.broadcast %sub3A_485 : f32 to vector<80x128xf32>
        %sub3A_487 = arith.subf %sub3A_486, %mul3A_484 : vector<80x128xf32>
        %log3A_488 = math.log %sub3A_487 : vector<80x128xf32>
        %neg3A_489 = arith.constant 0.000000e+00 : f32
        %neg3A_490 = vector.broadcast %neg3A_489 : f32 to vector<80x128xf32>
        %neg3A_491 = arith.subf %neg3A_490, %log3A_488 : vector<80x128xf32>
        %mul3A_492 = arith.mulf %neg3A_491, %add3A_481 : vector<80x128xf32>
        %mul3A_493 = arith.mulf %mul3A_492, %add3A_481 : vector<80x128xf32>
        %mul3A_494 = arith.constant 20480 : i32
        %mul3A_495 = arith.muli %arg0, %mul3A_494 : i32
        %mul3A_496 = arith.constant 128 : i32
        %mul3A_497 = arith.muli %scan3A_466, %mul3A_496 : i32
        %add3A_498 = arith.addi %mul3A_495, %mul3A_497 : i32
        %iota3A_499 = tpu.iota {dimensions = array<i32: 1>} : vector<1x128xi32>
        %add3A_500 = vector.broadcast %add3A_498 : i32 to vector<1x128xi32>
        %add3A_501 = arith.addi %add3A_500, %iota3A_499 : vector<1x128xi32>
        %lt3A_502 = arith.constant 100000 : i32
        %lt3A_503 = vector.broadcast %lt3A_502 : i32 to vector<1x128xi32>
        %lt3A_504 = arith.cmpi slt, %add3A_501, %lt3A_503 : vector<1x128xi32>
        %jit3A_505 = arith.constant 0.000000e+00 : f32
        %broadcast_in_dim3A_506 = vector.shape_cast %lt3A_504 : vector<1x128xi1> to vector<1x128xi1>
        %broadcast_in_dim3A_507 = vector.broadcast %broadcast_in_dim3A_506 : vector<1x128xi1> to vector<80x128xi1>
        %broadcast_in_dim3A_508 = vector.broadcast %jit3A_505 : f32 to vector<80x128xf32>
        %select_n3A_509 = arith.select %broadcast_in_dim3A_507, %mul3A_493, %broadcast_in_dim3A_508 : vector<80x128xi1>, vector<80x128xf32>
        %reshape3A_510 = vector.shape_cast %select_n3A_509 : vector<80x128xf32> to vector<10x8x128xf32>
        %reduce_sum3A_511 = arith.constant dense<0.000000e+00> : vector<8x128xf32>
        %reduce_sum3A_512 = vector.multi_reduction <add>, %reshape3A_510, %reduce_sum3A_511 [0] : vector<10x8x128xf32> to vector<8x128xf32>
        %add3A_513 = arith.addf %add3A_448, %reduce_sum3A_512 : vector<8x128xf32>
        %mul3A_514 = arith.constant 128 : i32
        %mul3A_515 = arith.muli %scan3A_466, %mul3A_514 : i32
        %get3A_516 = arith.index_cast %mul3A_515 : i32 to index
        %get3A_517 = vector.load %arg2[%get3A_516] : memref<20480xi32, #tpu.memory_space<vmem>>, vector<128xi32>
        %broadcast_in_dim3A_518 = vector.shape_cast %get3A_517 : vector<128xi32> to vector<1x128xi32>
        %eq3A_519 = vector.broadcast %broadcast_in_dim3A_518 : vector<1x128xi32> to vector<80x128xi32>
        %eq3A_520 = arith.cmpi eq, %add3A_1, %eq3A_519 : vector<80x128xi32>
        %jit3A_521 = arith.constant 0.000000e+00 : f32
        %broadcast_in_dim3A_522 = vector.broadcast %jit3A_521 : f32 to vector<80x128xf32>
        %select_n3A_523 = arith.select %eq3A_520, %get3A_471, %broadcast_in_dim3A_522 : vector<80x128xi1>, vector<80x128xf32>
        %reduce_sum3A_524 = arith.constant dense<0.000000e+00> : vector<128xf32>
        %reduce_sum3A_525 = vector.multi_reduction <add>, %select_n3A_523, %reduce_sum3A_524 [0] : vector<80x128xf32> to vector<128xf32>
        %mul3A_526 = arith.constant 128 : i32
        %mul3A_527 = arith.muli %scan3A_466, %mul3A_526 : i32
        %swap3A_528 = arith.index_cast %mul3A_527 : i32 to index
        %swap3A_529 = vector.load %arg4[%swap3A_528] : memref<20480xf32, #tpu.memory_space<vmem>>, vector<128xf32>
        tpu.vector_store %arg4[%swap3A_528], %reduce_sum3A_525 {strides = array<i32>} : memref<20480xf32, #tpu.memory_space<vmem>>, vector<128xf32>,
        scf.yield %add3A_513 : vector<8x128xf32>
      }
      %scan3A_13 = arith.constant 160 : i32
      %get3A = arith.constant 0 : index
      %get3A_14 = vector.load %arg3[%get3A] : memref<128xf32, #tpu.memory_space<vmem>>, vector<128xf32>
      %reduce_sum3A = arith.constant dense<0.000000e+00> : vector<128xf32>
      %reduce_sum3A_15 = vector.multi_reduction <add>, %scan3A_12, %reduce_sum3A [0] : vector<8x128xf32> to vector<128xf32>
      %add3A_16 = arith.addf %get3A_14, %reduce_sum3A_15 : vector<128xf32>
      %swap3A = arith.constant 0 : index
      %swap3A_17 = vector.load %arg3[%swap3A] : memref<128xf32, #tpu.memory_space<vmem>>, vector<128xf32>
      tpu.vector_store %arg3[%swap3A], %add3A_16 {strides = array<i32>} : memref<128xf32, #tpu.memory_space<vmem>>, vector<128xf32>,
    } else {
    }
    return
  }
  func.func @transform_0(%arg0: i32) -> (i32, i32) {
    %c0_i32 = arith.constant 0 : i32
    %c0_i32_0 = arith.constant 0 : i32
    return %c0_i32, %arg0 : i32, i32
  }
  func.func @transform_1(%arg0: i32) -> i32 {
    %c0_i32 = arith.constant 0 : i32
    return %arg0 : i32
  }
  func.func @transform_2(%arg0: i32) -> i32 {
    %c0_i32 = arith.constant 0 : i32
    %c0_i32_0 = arith.constant 0 : i32
    return %c0_i32 : i32
  }
  func.func @transform_3(%arg0: i32) -> i32 {
    %c0_i32 = arith.constant 0 : i32
    return %arg0 : i32
  }
}

</mosaic_0001>

<sc_bundles>
// kernel: kernel.4.cloned.1.call-start
scs
__scs_entry_jumppad:
0x0: {  	(pc) =	sbr.rel $0x88, $3  }
0x1: {  	(tag) =	ssettag $0x0;
	lr =	simm.s32 $0x1  }
0x2: {  	[smem:$0x3F9E] =	sst lr;
	_ =	strace $0xD0000000  }
0x3: {  	_ = 	snop  }
0x4: {  	_ = 	snop  }
0x5: {  	_ = 	snop  }
0x6: {  	_ = 	snop  }
0x7: {  	_ = 	snop  }
__scs_overlays_trampoline_lowered:
0x8: {  	[smem:$0x3FAD] =	sst s0  }
0x9: {  	[smem:$0x3FAE] =	sst s1  }
0xa: {  	[smem:$0x3FAF] =	sst s2  }
0xb: {  	[smem:$0x3FB0] =	sst s3  }
0xc: {  	[smem:$0x3FB1] =	sst s4  }
0xd: {  	[smem:$0x3FB2] =	sst s5  }
0xe: {  	[smem:$0x3FB3] =	sst s6  }
0xf: {  	[smem:$0x3FB4] =	sst s7  }
0x10: {  	[smem:$0x3FB5] =	sst s8  }
0x11: {  	[smem:$0x3FB6] =	sst s9;
	s0 =	simm.s32 @!p0 $0x0  }
0x12: {  	s1 =	sld [smem:$0x3F9C];
	s0 =	simm.s32 @p0 $0x1  }
0x13: {  	[smem:$0x3FB7] =	sst s0;
	s0 =	simm.s32 @!p1 $0x0  }
0x14: {  	s2 =	sld [smem:$0x3F9B];
	s0 =	simm.s32 @p1 $0x1  }
0x15: {  	[smem:$0x3FB8] =	sst s0;
	s0 =	simm.s32 @!p2 $0x0  }
0x16: {  	s3 =	sld [smem:$0x3FDB];
	s0 =	simm.s32 @p2 $0x1  }
0x17: {  	s4 =	simm.s32 $0x1BF5;
	[smem:$0x3FBA] =	sst s0  }
0x18: {  	s0 =	sld [smem:$0x3F9D];
	_ =	swait.ge [sflag:s4], $0x0  }
0x19: {  	s7 =	sld [smem:$0x3F9E]  }
0x1a: {  	s8 =	sadd.s32 $0xFFFFE003, lr  }
0x1b: {  	s9 =	sadd.s32 $0xFFFFFEF7, lr;
	s5 =	simm.s32 $0xFFFFFFFF;
	p2 =	slt.u32 s8, $0xFFFFF086  }
0x1c: {  	p1 =	slt.u32 s9, $0xF7A;
	s5 =	simm.s32 @!p2 $0x0  }
0x1d: {  	s5 =	simm.s32 @p1 $0x1;
	p0 =	seq.s32 s7, s2  }
0x1e: {  	s7 =	smul.u32 @!p0 $0xF7A, s2;
	p2 =	seq.s32 @!p0 s5, $0x0  }
0x1f: {  	s9 =	smul.u32 $0xF7A, s1;
	s8 =	simm.s32 @!p0 $0x1BF5;
	p2 =	por !p2, p0  }
0x20: {  	[sflag:s8] =	ssyncset.s32 @!p0 $0xFFFFF086;
	s6 =	sadd.s32 @!p0 s3, s7;
	s7 =	simm.s32 @!p0 $0x108  }
0x21: {  	s3 =	sadd.s32 s3, s9;
	s6 =	sadd.s32 @!p0 $0x88, s6;
	s7 =	simm.s32 @p2 $0x1082  }
0x22: {  	[simem:s7], [sflag:s8] =	dma.local @!p0 [hbm:s6], $0xF7A  }
0x23: {  	s9 =	sor.u32 $0xD0000000, s2;
	s6 =	simm.s32 $0x108;
	_ =	swait.ge @!p0 [sflag:s8], $0x0  }
0x24: {  	s3 =	sadd.s32 $0x88, s3;
	s6 =	simm.s32 @!p1 $0x1082;
	[sflag:s4] =	ssyncset.s32 $0xFFFFF086  }
0x25: {  	[simem:s6], [sflag:s4] =	dma.local [hbm:s3], $0xF7A  }
0x26: {  	[smem:$0x3F9E] =	sst s1;
	(tag) =	ssettag s2;
	_ =	strace s9  }
0x27: {  	s1 =	sld [smem:$0x3FAE]  }
0x28: {  	s2 =	sld [smem:$0x3FAF]  }
0x29: {  	s4 =	sld [smem:$0x3FB1]  }
0x2a: {  	p0 =	seq.s32 s5, $0x0;
	s5 =	sld [smem:$0x3FB2]  }
0x2b: {  	s6 =	sld [smem:$0x3FB3]  }
0x2c: {  	s7 =	sld [smem:$0x3FB4]  }
0x2d: {  	s3 =	simm.s32 $0x108;
	s8 =	sld [smem:$0x3FB5]  }
0x2e: {  	s3 =	simm.s32 @!p0 $0x1082;
	s9 =	sld [smem:$0x3FB6]  }
0x2f: {  	lr =	sadd.s32 s0, s3;
	s0 =	sld [smem:$0x3FAD]  }
0x30: {  	s3 =	sld [smem:$0x3FB0]  }
0x31: {  	[smem:$0x3FB9] =	sst s10  }
0x32: {  	s10 =	sld [smem:$0x3FB7];
	_ =	sdelay $0x3  }
0x33: {  	p0 =	seq.s32 s10, $0x1;
	s10 =	sld [smem:$0x3FB9];
	_ =	sdelay $0x3  }
0x34: {  	[smem:$0x3FB9] =	sst s10  }
0x35: {  	s10 =	sld [smem:$0x3FB8];
	_ =	sdelay $0x3  }
0x36: {  	p1 =	seq.s32 s10, $0x1;
	s10 =	sld [smem:$0x3FB9];
	_ =	sdelay $0x3  }
0x37: {  	[smem:$0x3FB9] =	sst s10  }
0x38: {  	s10 =	sld [smem:$0x3FBA]  }
0x39: {  	_ = 	snop;
	(pc) =	sbr.ind lr, $3  }
0x3a: {  	_ = 	snop  }
0x3b: {  	_ = 	snop  }
0x3c: {  	p2 =	seq.s32 s10, $0x1;
	s10 =	sld [smem:$0x3FB9]  }
0x3d: {  	_ =	shalt  }
0x3e: {  	_ =	shalt  }
0x3f: {  	_ =	shalt  }
0x40: {  	_ =	shalt  }
0x41: {  	_ =	shalt  }
0x42: {  	_ =	shalt  }
0x43: {  	_ =	shalt  }
0x44: {  	_ =	shalt  }
0x45: {  	_ =	shalt  }
0x46: {  	_ =	shalt  }
0x47: {  	_ =	shalt  }
0x48: {  	_ =	shalt  }
0x49: {  	_ =	shalt  }
0x4a: {  	_ =	shalt  }
0x4b: {  	_ =	shalt  }
0x4c: {  	_ =	shalt  }
0x4d: {  	_ =	shalt  }
0x4e: {  	_ =	shalt  }
0x4f: {  	_ =	shalt  }
0x50: {  	_ =	shalt  }
0x51: {  	_ =	shalt  }
0x52: {  	_ =	shalt  }
0x53: {  	_ =	shalt  }
0x54: {  	_ =	shalt  }
0x55: {  	_ =	shalt  }
0x56: {  	_ =	shalt  }
0x57: {  	_ =	shalt  }
0x58: {  	_ =	shalt  }
0x59: {  	_ =	shalt  }
0x5a: {  	_ =	shalt  }
0x5b: {  	_ =	shalt  }
0x5c: {  	_ =	shalt  }
0x5d: {  	_ =	shalt  }
0x5e: {  	_ =	shalt  }
0x5f: {  	_ =	shalt  }
0x60: {  	_ =	shalt  }
0x61: {  	_ =	shalt  }
0x62: {  	_ =	shalt  }
0x63: {  	_ =	shalt  }
0x64: {  	_ =	shalt  }
0x65: {  	_ =	shalt  }
0x66: {  	_ =	shalt  }
0x67: {  	_ =	shalt  }
0x68: {  	_ =	shalt  }
0x69: {  	_ =	shalt  }
0x6a: {  	_ =	shalt  }
0x6b: {  	_ =	shalt  }
0x6c: {  	_ =	shalt  }
0x6d: {  	_ =	shalt  }
0x6e: {  	_ =	shalt  }
0x6f: {  	_ =	shalt  }
0x70: {  	_ =	shalt  }
0x71: {  	_ =	shalt  }
0x72: {  	_ =	shalt  }
0x73: {  	_ =	shalt  }
0x74: {  	_ =	shalt  }
0x75: {  	_ =	shalt  }
0x76: {  	_ =	shalt  }
0x77: {  	_ =	shalt  }
0x78: {  	_ =	shalt  }
0x79: {  	_ =	shalt  }
0x7a: {  	_ =	shalt  }
0x7b: {  	_ =	shalt  }
0x7c: {  	_ =	shalt  }
0x7d: {  	_ =	shalt  }
0x7e: {  	_ =	shalt  }
0x7f: {  	_ =	shalt  }
0x80: {  	_ =	shalt  }
0x81: {  	_ =	shalt  }
0x82: {  	_ =	shalt  }
0x83: {  	_ =	shalt  }
0x84: {  	_ =	shalt  }
0x85: {  	_ =	shalt  }
0x86: {  	_ =	shalt  }
0x87: {  	_ =	shalt  }
.Lfunc_end0:
.L_simem_size_0:
called_computation_lowered:
.L_overlay_start_0:
0x88: {  	s2 =	sld [smem:$0x3FD9]  }
0x89: {  	s3 =	sld [smem:$0x3FFE];
	_ =	sdelay $0x1  }
0x8a: {  	s1 =	srdreg.scid  }
0x8b: {  	s0 =	sand.u32 $0x1, s1  }
0x8c: {  	s17 =	sshll.u32 s0, $0xA;
	s2 =	sadd.s32 s3, s2  }
0x8d: {  	s2 =	sadd.s32 s2, s17  }
0x8e: {  	[smem:$0x3FC5] =	sst s2  }
0x8f: {  	_ = 	snop  }
0x90: {  	s2 =	sld [smem:$0x3FC8]  }
0x91: {  	s18 =	sld [smem:$0x3FC7]  }
0x92: {  	s4 =	sld [smem:$0x3FD0];
	(tm) =	ssettm $0x1  }
0x93: {  	s5 =	sld [smem:$0x3FFB];
	_ =	sdelay $0x3  }
0x94: {  	_ =	strace s5  }
0x95: {  	s5 =	sld [smem:$0x3FFC];
	_ =	sdelay $0x3  }
0x96: {  	_ =	strace s5  }
0x97: {  	s5 =	sld [smem:$0x3FFD];
	_ =	sdelay $0x3  }
0x98: {  	_ =	strace s5  }
0x99: {  	_ =	strace $0x8FFFFFFF  }
0x9a: {  	s19 =	sld [smem:$0x3FDB];
	_ =	sdelay $0x1  }
0x9b: {  	s6 =	simm.s32 $_scs_section_size  }
0x9c: {  	s7 =	simm.s32 $_size__tile_overlayer_lowered;
	s8 =	simm.s32 $_tile_overlayer_lowered  }
0x9d: {  	s22 =	simm.s32 $0x1BFF;
	s21 =	sshll.u32 s8, $0x1;
	s5 =	sadd.s32 s6, s19  }
0x9e: {  	s9 =	simm.s32 $0x0;
	s20 =	sshll.u32 s7, $0x1;
	s7 =	sadd.s32 s21, s5  }
0x9f: {  	[timem:s9], [sflag:s22] =	dma.local [hbm:s7], s20  }
0xa0: {  	_ =	swait.ge [sflag:s22], s20  }
0xa1: {  	s6 =	ssub.s32 $0x0, s20;
	[sflag:s22] =	ssyncset.done $0x0  }
0xa2: {  	[sflag:s22] =	ssyncadd.s32 s6;
	_ =	sdelay $0x1  }
0xa3: {  	s23 =	simm.s32 $0x1B8B  }
0xa4: {  	_ =	swait.ge [sflag:s23], $0x1  }
0xa5: {  	[sflag:s23] =	ssyncset.done $0x0  }
0xa6: {  	s25 =	simm.s32 $0x1B8E;
	s24 =	sld [smem:$0x3FFE];
	[sflag:s23] =	ssyncadd.s32 $0xFFFFFFFF  }
0xa7: {  	s26 =	simm.s32 $execute0_lowered;
	[smem:$0x3FD2] =	sst s25  }
0xa8: {  	s7 =	sshll.u32 s26, $0x1;
	_ =	strace $0x80000046;
	[dreg:$0x1] =	wrdreg $0xFFFFFFFF  }
0xa9: {  	s28 =	simm.s32 $_size_execute0_lowered;
	s5 =	sadd.s32 s5, s7;
	[dreg:$0x0] =	wrdreg $0x0  }
0xaa: {  	s7 =	sshll.u32 s28, $0x1;
	[dreg:$0x2] =	wrdreg s5  }
0xab: {  	[dreg:$0x3] =	wrdreg s7  }
0xac: {  	[dreg:$0x4] =	wrdreg $0xC0  }
0xad: {  	_ =	task [dreg:s9], $0x5FFFF  }
0xae: {  	[dreg:$0x1] =	wrdreg $0xFFFFFFFF  }
0xaf: {  	[dreg:$0x0] =	wrdreg $0x60  }
0xb0: {  	[dreg:$0x2] =	wrdreg s4  }
0xb1: {  	[dreg:$0x3] =	wrdreg s24  }
0xb2: {  	[dreg:$0x4] =	wrdreg s2  }
0xb3: {  	[dreg:$0x5] =	wrdreg s18  }
0xb4: {  	[dreg:$0x6] =	wrdreg $0x9  }
0xb5: {  	_ =	task.clear_ibuf [dreg:s9], $0x7FFFF;
	_ =	strace $0x90000046  }
0xb6: {  	s29 =	simm.s32 $0x9;
	_ =	strace $0x80000048  }
0xb7: {  	_ =	swait.ge [sflag:s29], $0x1  }
0xb8: {  	[sflag:s29] =	ssyncadd.s32 $0xFFFFFFFF  }
0xb9: {  	_ =	strace $0x90000048  }
0xba: {  	_ =	sfence  }
0xbb: {  	s30 =	sld [smem:$0x0];
	_ =	sdelay $0x2  }
0xbc: {  	s31 =	sshll.u32 s1, $0xD;
	s1 =	sshrl.u32 s1, $0x2  }
0xbd: {  	s3 =	sand.u32 $0x4000, s31;
	s1 =	sadd.s32 s1, s30  }
0xbe: {  	s0 =	sor.u32 s3, s0;
	s1 =	sshll.u32 s1, $0x11  }
0xbf: {  	s0 =	sor.u32 s1, s0  }
0xc0: {  	s0 =	sadd.s32 $0x8F2B, s0  }
0xc1: {  	[sflag:s0] =	ssyncadd.remote.s32 $0x1  }
0xc2: {  	_ =	sfence.sel $0xFFFF  }
0xc3: {  	[dreg:$0x0] =	wrdreg $0xFFFFFFFF;
	(pc) =	sbr.abs _section_cstart, $3  }
0xc4: {  	[dreg:$0x1] =	wrdreg $0xFFFFFFFF  }
0xc5: {  	_ =	task.clear_ibuf [dreg:s9], $0x2FFFF;
	_ =	strace $0x9FFFFFFF  }
0xc6: {  	(tm) =	ssettm $0x7FFFFFFF  }
0xc7: {  	_ =	shalt  }
tec
execute0_lowered:
.L_overlay_start_1:
0x0: {  	(tag) =	ssettag $0x1  }
0x1: {  	s5 =	rddreg [dreg:$0x1]  }
0x2: {  	s1 =	srdreg.scid;
	s6 =	rddreg [dreg:$0x2]  }
0x3: {  	s0 =	stileid.u32;
	s7 =	rddreg [dreg:$0x3]  }
0x4: {  	s3 =	simm.s32 $0x0;
	s4 =	sand.u32 $0x1, s1;
	s1 =	rddreg [dreg:$0x0]  }
0x5: {  	s2 =	sshll.u32 s0, $0x1;
	[smem:$0x7FF] =	sst s3  }
0x6: {  	s12 =	smul.u32 $0x1880, s0;
	s13 =	sor.u32 s4, s2;
	s2 =	rddreg [dreg:$0x4]  }
0x7: {  	s11 =	ssub.s32 $0x2, s4;
	s15 =	smul.u32 $0xC40, s4;
	_ =	strace $0x80000047  }
0x8: {  	s14 =	smul.u32 $0xC40, s13;
	s10 =	sshll.u32 s13, $0x4;
	s30 =	sshrl.u32 s11, $0x1  }
0x9: {  	p0 =	sne.s32 s13, $0x0;
	s13 =	simm.s32 $0x2580;
	s10 =	sadd.s32 s10, s5  }
0xa: {  	s11 =	ssub.s32 s11, s30;
	s31 =	sadd.s32 s15, s12;
	s8 =	smin.u32 s14, $0x17A60  }
0xb: {  	s12 =	simm.s32 $0x1900;
	v0 =	vmov s14;
	s14 =	simm.s32 $0x0;
	s8 =	sshrl.u32 s8, $0x3  }
0xc: {  	s9 =	sadd.s32 s8, s5;
	s5 =	sadd.s32 s6, s8;
	s6 =	sadd.s32 s7, s8  }
0xd: {  	s7 =	sadd.s32 $0x3A00, s10;
	s8 =	smax.u32 s11, $0x1;
	s10 =	simm.s32 $0x1  }
0xe: {  	v1 =	vlaneseq.u32;
	s11 =	simm.s32 $0xC80;
	s4 =	sadd.s32 $0x800, s9;
	s9 =	smin.u32 s31, $0x17A60  }
.LBB2_1:
0xf: {  	[tilespmem:s3], [sflag:$0x1] =	stream.linear.gather [hbm4b:s4+s3], $0xC40, $0x38;
	[tilespmem:$0x2680] =	vst v63  }
0x10: {  	_ =	swait.ge [sflag:s10], $0xC40  }
0x11: {  	[sflag:s10] =	ssyncset.done $0x0  }
0x12: {  	[sflag:s10] =	ssyncadd.s32 $0xFFFFF3C0  }
0x13: {  	[tilespmem:s11], [sflag:$0x1] =	stream.linear.gather [hbm4b:s5+s3], $0xC40, $0x38;
	[tilespmem:$0x2680] =	vst v63  }
0x14: {  	_ =	swait.ge [sflag:s10], $0xC40  }
0x15: {  	[sflag:s10] =	ssyncset.done $0x0  }
0x16: {  	[sflag:s10] =	ssyncadd.s32 $0xFFFFF3C0  }
0x17: {  	[tilespmem:s12], [sflag:$0x1] =	stream.linear.gather [hbm4b:s6+s3], $0xC40, $0x38;
	[tilespmem:$0x2680] =	vst v63  }
0x18: {  	_ =	swait.ge [sflag:s10], $0xC40  }
0x19: {  	[sflag:s10] =	ssyncset.done $0x0  }
0x1a: {  	s15 =	simm.s32 $0x20;
	[sflag:s10] =	ssyncadd.s32 $0xFFFFF3C0  }
0x1b: {  	v11 =	vld [tilespmem:s15+$0x10]  }
0x1c: {  	v9 =	vld [tilespmem:s15+$0x0]  }
0x1d: {  	v8 =	vld [tilespmem:s15+$0xFFFFFFF0]  }
0x1e: {  	v10 =	vld [tilespmem:s15+$0xFFFFFFE0];
	_ =	sdelay $0x1  }
0x1f: {  	v2 =	vand.u32 $0x7FFFFFFF, v11  }
0x20: {  	v3 =	vand.u32 $0x7FFFFFFF, v9;
	v2 =	vsub.f32 $0.0e+00, v2  }
0x21: {  	v4 =	vand.u32 $0x7FFFFFFF, v8;
	v3 =	vsub.f32 $0.0e+00, v3  }
0x22: {  	v5 =	vand.u32 $0x7FFFFFFF, v10;
	v4 =	vsub.f32 $0.0e+00, v4;
	v2 =	vmul.f32 $1.442695020e+00, v2  }
0x23: {  	v5 =	vsub.f32 $0.0e+00, v5;
	v3 =	vmul.f32 $1.442695020e+00, v3  }
0x24: {  	v4 =	vmul.f32 $1.442695020e+00, v4;
	(erf) = vpow2.f32 v2  }
0x25: {  	v2 =	vmul.f32 $1.442695020e+00, v5;
	(erf) = vpow2.f32 v3  }
0x26: {  	(erf) = vpow2.f32 v4  }
0x27: {  	(erf) = vpow2.f32 v2;
	_ =	sdelay $0x4  }
0x28: {  	s16 =	simm.s32 $0x1920  }
0x29: {  	v13 =	vld [tilespmem:s16+$0x10];
	v5 =	vpop (erf)  }
0x2a: {  	s15 =	simm.s32 $0xCA0;
	v6 =	vld [tilespmem:s16+$0x0];
	v3 =	vpop (erf)  }
0x2b: {  	s17 =	sadd.s32 $0x30, s9;
	v15 =	vld [tilespmem:s15+$0x0];
	v4 =	vpop (erf)  }
0x2c: {  	v12 =	vor.u32 s9, v1;
	s18 =	sadd.s32 $0x20, s9;
	v22 =	vor.u32 s17, v1;
	v16 =	vld [tilespmem:s15+$0xFFFFFFF0];
	v7 =	vpop (erf)  }
0x2d: {  	s31 =	sadd.s32 $0x10, s9;
	v18 =	vor.u32 s18, v1;
	vm1 =	vge.u32 v12, v0;
	v17 =	vld [tilespmem:s15+$0xFFFFFFE0];
	v23 =	vadd.f32 $2.000000000e+00, v7  }
0x2e: {  	v19 =	vor.u32 s31, v1;
	vm0 =	vge.u32 v22, v0;
	v12 =	vld [tilespmem:s16+$0xFFFFFFF0];
	v20 =	vadd.f32 $2.000000000e+00, v5  }
0x2f: {  	s19 =	smov.u32 s9;
	s17 =	simm.s32 $0x0;
	s18 =	simm.s32 $0x60;
	v14 =	vld [tilespmem:s16+$0xFFFFFFE0];
	v2 =	vimm.f32 $0.0e+00;
	v21 =	vadd.f32 $2.000000000e+00, v4;
	(erf) = vrcp.f32 v23  }
.LBB2_2:
0x30: {  	v22 =	vld [tilespmem:s18+$0x10];
	vm2 =	vge.u32 v18, v0;
	v18 =	vadd.f32 $2.000000000e+00, v3;
	(erf) = vrcp.f32 v20  }
0x31: {  	vm3 =	vge.u32 v19, v0;
	v24 =	vadd.s32 $0xFFFFFFFF, v15;
	v23 =	vld [tilespmem:s18+$0x0];
	(erf) = vrcp.f32 v21  }
0x32: {  	v26 =	vadd.s32 $0xFFFFFFFF, v17;
	v27 =	vadd.s32 $0xFFFFFFFF, v16;
	v25 =	vld [tilespmem:s18+$0xFFFFFFF0];
	(erf) = vrcp.f32 v18  }
0x33: {  	v19 =	vmax.f32 v11, $0.0e+00;
	v15 =	vmul.f32 v11, v13;
	v16 =	vmul.f32 v9, v6  }
0x34: {  	vm8 =	vge.f32 v11, $0.0e+00;
	v18 =	vmax.f32 v9, $0.0e+00;
	v17 =	vmul.f32 v8, v12  }
0x35: {  	v20 =	vmax.f32 v8, $0.0e+00;
	vm7 =	vge.f32 v9, $0.0e+00;
	v28 =	vld [tilespmem:s18+$0xFFFFFFE0];
	v21 =	vand.u32 $0x7FFFFFFF, v22;
	v11 =	vmovc v22  }
0x36: {  	v22 =	vand.u32 $0x7FFFFFFF, v23;
	v31 =	vsub.f32 $0.0e+00, v21;
	v21 =	vmul.f32 v10, v14;
	v9 =	vmovc v23  }
0x37: {  	vm10 =	vge.f32 v8, $0.0e+00;
	v23 =	vand.u32 $0x7FFFFFFF, v25;
	v30 =	vsub.f32 $0.0e+00, v22;
	v8 =	vmovc v25  }
0x38: {  	v22 =	vmax.f32 v10, $0.0e+00;
	v23 =	vsub.f32 $0.0e+00, v23;
	v25 =	vmul.f32 $1.442695020e+00, v31;
	v29 =	vpop (erf)  }
0x39: {  	vm9 =	vge.f32 v10, $0.0e+00;
	v30 =	vmul.f32 $1.442695020e+00, v30;
	v29 =	vmul.f32 v29, v7;
	v10 =	vpop (erf)  }
0x3a: {  	v31 =	vand.u32 $0x7FFFFFFF, v28;
	v23 =	vmul.f32 $1.442695020e+00, v23;
	v32 =	vmul.f32 v10, v5;
	v10 =	vpop (erf)  }
0x3b: {  	vm4 =	vgt.s32 v24, $0xFFFFFFFF;
	v33 =	vmul.f32 v29, v29;
	v34 =	vmul.f32 v10, v4;
	v10 =	vpop (erf)  }
0x3c: {  	vm5 =	vgt.s32 v27, $0xFFFFFFFF;
	v24 =	vmul.f32 v10, v3;
	v27 =	vmul.f32 v32, v32;
	v10 =	vmovc v28  }
0x3d: {  	v28 =	vsub.f32 $0.0e+00, v31;
	v31 =	vmul.f32 $7.692307980e-02, v33;
	v35 =	vmul.f32 v34, v34  }
0x3e: {  	vm6 =	vgt.s32 v26, $0xFFFFFFFF;
	v26 =	vmul.f32 v24, v24;
	v36 =	vmul.f32 $7.692307980e-02, v27  }
0x3f: {  	v28 =	vmul.f32 $1.442695020e+00, v28;
	v31 =	vadd.f32 $9.090909360e-02, v31;
	v37 =	vmul.f32 $7.692307980e-02, v35  }
0x40: {  	(erf) = vpow2.f32 v25;
	v25 =	vmul.f32 $7.692307980e-02, v26;
	v36 =	vadd.f32 $9.090909360e-02, v36  }
0x41: {  	(erf) = vpow2.f32 v30;
	v30 =	vmul.f32 v31, v33;
	v31 =	vadd.f32 $9.090909360e-02, v37  }
0x42: {  	(erf) = vpow2.f32 v23;
	v23 =	vadd.f32 $9.090909360e-02, v25;
	v25 =	vmul.f32 v36, v27  }
0x43: {  	v36 =	vadd.f32 $1.000000000e+00, v5;
	v30 =	vadd.f32 $1.111111120e-01, v30;
	v31 =	vmul.f32 v31, v35  }
0x44: {  	v37 =	vadd.f32 $1.000000000e+00, v4;
	v23 =	vmul.f32 v23, v26;
	v25 =	vadd.f32 $1.111111120e-01, v25  }
0x45: {  	v38 =	vadd.f32 $1.000000000e+00, v7;
	v30 =	vmul.f32 v30, v33;
	v31 =	vadd.f32 $1.111111120e-01, v31  }
0x46: {  	v23 =	vadd.f32 $1.111111120e-01, v23;
	v25 =	vmul.f32 v25, v27;
	(erf) = vrcp.f32 v36  }
0x47: {  	v30 =	vadd.f32 $1.428571490e-01, v30;
	v31 =	vmul.f32 v31, v35;
	(erf) = vrcp.f32 v37  }
0x48: {  	v23 =	vmul.f32 v23, v26;
	v25 =	vadd.f32 $1.428571490e-01, v25;
	(erf) = vrcp.f32 v38  }
0x49: {  	(erf) = vpow2.f32 v28;
	v28 =	vpop (erf);
	v30 =	vmul.f32 v30, v33;
	v31 =	vadd.f32 $1.428571490e-01, v31  }
0x4a: {  	v37 =	vsel vm8, $0x3F800000, v5;
	v36 =	vpop (erf);
	v23 =	vadd.f32 $1.428571490e-01, v23;
	v25 =	vmul.f32 v25, v27  }
0x4b: {  	v39 =	vsel vm7, $0x3F800000, v3;
	v38 =	vpop (erf);
	v30 =	vadd.f32 $2.000000030e-01, v30;
	v31 =	vmul.f32 v31, v35  }
0x4c: {  	v40 =	vsel vm10, $0x3F800000, v4;
	v5 =	vmovc v28;
	v23 =	vmul.f32 v23, v26;
	v25 =	vadd.f32 $2.000000030e-01, v25;
	v4 =	vmovc v38  }
0x4d: {  	v28 =	vmul.f32 v30, v33;
	v38 =	vadd.f32 $2.000000030e-01, v31;
	v31 =	vadd.f32 $1.000000000e+00, v3;
	v3 =	vmovc v36  }
0x4e: {  	v36 =	vsel vm9, $0x3F800000, v7;
	v41 =	vadd.f32 $2.000000030e-01, v23;
	v23 =	vmul.f32 v25, v27  }
0x4f: {  	v25 =	vadd.f32 $3.333333430e-01, v28;
	v28 =	vmul.f32 v38, v35;
	(erf) = vrcp.f32 v31;
	v30 =	vpop (erf)  }
0x50: {  	v31 =	vmul.f32 v41, v26;
	v23 =	vadd.f32 $3.333333430e-01, v23;
	v30 =	vmul.f32 v30, v37;
	v7 =	vpop (erf)  }
0x51: {  	v25 =	vmul.f32 v25, v33;
	v28 =	vadd.f32 $3.333333430e-01, v28;
	v33 =	vmul.f32 v7, v40;
	v37 =	vpop (erf)  }
0x52: {  	v7 =	vpop (erf);
	v36 =	vmul.f32 v37, v36;
	v31 =	vadd.f32 $3.333333430e-01, v31;
	v23 =	vmul.f32 v23, v27  }
0x53: {  	v27 =	vadd.f32 v29, v29;
	v25 =	vadd.f32 $1.000000000e+00, v25;
	v28 =	vmul.f32 v28, v35  }
0x54: {  	s17 =	sadd.s32 $0x4, s17;
	v29 =	vadd.f32 v32, v32;
	v26 =	vmul.f32 v31, v26;
	v23 =	vadd.f32 $1.000000000e+00, v23  }
0x55: {  	p1 =	slt.u32 s17, $0xC0;
	v25 =	vmul.f32 v25, v27;
	v27 =	vadd.f32 $1.000000000e+00, v28;
	v28 =	vadd.f32 v34, v34  }
0x56: {  	v24 =	vadd.f32 v24, v24;
	v26 =	vadd.f32 $1.000000000e+00, v26;
	v29 =	vmul.f32 v23, v29  }
0x57: {  	v13 =	vsub.f32 v13, v30;
	v22 =	vadd.f32 v25, v22;
	v25 =	vmul.f32 v27, v28  }
0x58: {  	v14 =	vsub.f32 v14, v36;
	v24 =	vmul.f32 v26, v24;
	v19 =	vadd.f32 v29, v19;
	v23 =	vpop (erf)  }
0x59: {  	v21 =	vsub.f32 v22, v21;
	v20 =	vadd.f32 v25, v20;
	v23 =	vmul.f32 v23, v39  }
0x5a: {  	v12 =	vsub.f32 v12, v33;
	v22 =	vmul.f32 v22, v36;
	v18 =	vadd.f32 v24, v18  }
0x5b: {  	v24 =	vmul.f32 v19, v30;
	v21 =	vmul.f32 v21, v14;
	v17 =	vsub.f32 v20, v17  }
0x5c: {  	v22 =	vmul.f32 v22, v36;
	v20 =	vmul.f32 v20, v33;
	v6 =	vsub.f32 v6, v23  }
0x5d: {  	v16 =	vsub.f32 v18, v16;
	v14 =	vmul.f32 v21, v14;
	v17 =	vmul.f32 v17, v12  }
0x5e: {  	v15 =	vsub.f32 v19, v15;
	v18 =	vmul.f32 v18, v23;
	v20 =	vmul.f32 v20, v33  }
0x5f: {  	v16 =	vmul.f32 v16, v6;
	v14 =	vsub.f32 v14, v22;
	v12 =	vmul.f32 v17, v12;
	v17 =	vld [tilespmem:s15+$0x10]  }
0x60: {  	vm1 =	vmand vm1, vm6;
	v15 =	vmul.f32 v15, v13;
	v18 =	vmul.f32 v18, v23  }
0x61: {  	v6 =	vmul.f32 v16, v6;
	v14 =	vnsel vm1, $0x0, v14;
	v12 =	vsub.f32 v12, v20  }
0x62: {  	vm1 =	vmand vm3, vm5;
	v2 =	vadd.f32 v14, v2;
	v14 =	vmul.f32 v24, v30  }
0x63: {  	v13 =	vmul.f32 v15, v13;
	s15 =	sadd.s32 $0x40, s15;
	v6 =	vsub.f32 v6, v18;
	v12 =	vnsel vm1, $0x0, v12  }
0x64: {  	vm1 =	vmand vm2, vm4;
	v15 =	vld [tilespmem:s15+$0x0];
	v2 =	vadd.f32 v12, v2;
	v12 =	vadd.s32 $0xFFFFFFFF, v17  }
0x65: {  	s19 =	sadd.s32 $0x40, s19;
	v6 =	vnsel vm1, $0x0, v6;
	v16 =	vld [tilespmem:s15+$0xFFFFFFF0];
	vm1 =	vgt.s32 v12, $0xFFFFFFFF;
	v12 =	vsub.f32 v13, v14  }
.Ltmp0:
0x66: {  	s16 =	sadd.s32 $0x40, s16;
	s20 =	sadd.s32 $0x30, s19;
	v17 =	vld [tilespmem:s15+$0xFFFFFFE0];
	v2 =	vadd.f32 v6, v2;
	vm0 =	vmand vm0, vm1;
	(pc) =	sbr.rel @p1 .LBB2_2-.Ltmp0, $4  }
0x67: {  	s21 =	sadd.s32 $0x20, s19;
	v22 =	vor.u32 s20, v1;
	v14 =	vor.u32 s19, v1;
	v13 =	vld [tilespmem:s16+$0x10];
	v12 =	vnsel vm0, $0x0, v12  }
0x68: {  	v23 =	vadd.f32 $2.000000000e+00, v7;
	s20 =	sadd.s32 $0x10, s19;
	v18 =	vor.u32 s21, v1;
	v6 =	vld [tilespmem:s16+$0x0];
	v2 =	vadd.f32 v12, v2  }
0x69: {  	v19 =	vor.u32 s20, v1;
	v20 =	vadd.f32 $2.000000000e+00, v5;
	vm1 =	vge.u32 v14, v0;
	v12 =	vld [tilespmem:s16+$0xFFFFFFF0]  }
0x6a: {  	s18 =	sadd.s32 $0x40, s18;
	v21 =	vadd.f32 $2.000000000e+00, v4;
	vm0 =	vge.u32 v22, v0;
	v14 =	vld [tilespmem:s16+$0xFFFFFFE0];
	(erf) = vrcp.f32 v23  }
0x6b: {  	v22 =	vadd.f32 $2.000000000e+00, v3;
	(erf) = vrcp.f32 v20  }
0x6c: {  	(erf) = vrcp.f32 v21  }
0x6d: {  	(erf) = vrcp.f32 v22;
	_ =	sdelay $0x3  }
0x6e: {  	vm2 =	vge.u32 v18, v0  }
0x6f: {  	vm3 =	vge.u32 v19, v0;
	v15 =	vadd.s32 $0xFFFFFFFF, v15;
	v17 =	vadd.s32 $0xFFFFFFFF, v17  }
0x70: {  	v16 =	vadd.s32 $0xFFFFFFFF, v16;
	v52 =	vmax.f32 v11, $0.0e+00;
	v24 =	vmax.f32 v9, $0.0e+00;
	v51 =	vpop (erf)  }
0x71: {  	vm7 =	vge.f32 v11, $0.0e+00;
	v28 =	vmax.f32 v8, $0.0e+00;
	v20 =	vmul.f32 v51, v7;
	v23 =	vpop (erf)  }
0x72: {  	vm8 =	vge.f32 v9, $0.0e+00;
	vm9 =	vge.f32 v8, $0.0e+00;
	v23 =	vmul.f32 v23, v5;
	v26 =	vpop (erf)  }
0x73: {  	v32 =	vmax.f32 v10, $0.0e+00;
	v54 =	vmul.f32 v20, v20;
	v26 =	vmul.f32 v26, v4;
	v27 =	vpop (erf)  }
0x74: {  	vm10 =	vge.f32 v10, $0.0e+00;
	v27 =	vmul.f32 v27, v3;
	v29 =	vmul.f32 v23, v23  }
0x75: {  	v60 =	vadd.f32 $1.000000000e+00, v5;
	v55 =	vmul.f32 $7.692307980e-02, v54;
	v30 =	vmul.f32 v26, v26  }
0x76: {  	v61 =	vadd.f32 $1.000000000e+00, v4;
	v56 =	vmul.f32 v27, v27;
	v31 =	vmul.f32 $7.692307980e-02, v29  }
0x77: {  	v18 =	vmul.f32 v9, v6;
	v9 =	vadd.f32 $9.090909360e-02, v55;
	v33 =	vmul.f32 $7.692307980e-02, v30  }
0x78: {  	v62 =	vadd.f32 $1.000000000e+00, v7;
	v57 =	vmul.f32 $7.692307980e-02, v56;
	v31 =	vadd.f32 $9.090909360e-02, v31  }
0x79: {  	v19 =	vmul.f32 v11, v13;
	v9 =	vmul.f32 v9, v54;
	v58 =	vadd.f32 $9.090909360e-02, v33  }
0x7a: {  	v25 =	vmul.f32 v10, v14;
	v10 =	vadd.f32 $9.090909360e-02, v57;
	v59 =	vmul.f32 v31, v29  }
0x7b: {  	vm4 =	vgt.s32 v15, $0xFFFFFFFF;
	v9 =	vadd.f32 $1.111111120e-01, v9;
	v15 =	vmul.f32 v58, v30  }
0x7c: {  	vm5 =	vgt.s32 v16, $0xFFFFFFFF;
	v10 =	vmul.f32 v10, v56;
	v16 =	vadd.f32 $1.111111120e-01, v59  }
0x7d: {  	v63 =	vsel vm7, $0x3F800000, v5;
	v9 =	vmul.f32 v9, v54;
	v15 =	vadd.f32 $1.111111120e-01, v15  }
0x7e: {  	v34 =	vsel vm10, $0x3F800000, v7;
	v10 =	vadd.f32 $1.111111120e-01, v10;
	v16 =	vmul.f32 v16, v29  }
0x7f: {  	v53 =	vmul.f32 v8, v12;
	v9 =	vadd.f32 $1.428571490e-01, v9;
	v15 =	vmul.f32 v15, v30  }
0x80: {  	(erf) = vrcp.f32 v60;
	v10 =	vmul.f32 v10, v56;
	v16 =	vadd.f32 $1.428571490e-01, v16  }
0x81: {  	(erf) = vrcp.f32 v61;
	v9 =	vmul.f32 v9, v54;
	v15 =	vadd.f32 $1.428571490e-01, v15  }
0x82: {  	(erf) = vrcp.f32 v62;
	v10 =	vadd.f32 $1.428571490e-01, v10;
	v16 =	vmul.f32 v16, v29  }
0x83: {  	v40 =	vadd.f32 v20, v20;
	v9 =	vadd.f32 $2.000000030e-01, v9;
	v15 =	vmul.f32 v15, v30  }
0x84: {  	v42 =	vadd.f32 v23, v23;
	v10 =	vmul.f32 v10, v56;
	v16 =	vadd.f32 $2.000000030e-01, v16  }
0x85: {  	v31 =	vsel vm8, $0x3F800000, v3;
	v9 =	vmul.f32 v9, v54;
	v15 =	vadd.f32 $2.000000030e-01, v15  }
0x86: {  	v3 =	vadd.f32 $1.000000000e+00, v3;
	v10 =	vadd.f32 $2.000000030e-01, v10;
	v16 =	vmul.f32 v16, v29  }
0x87: {  	v43 =	vadd.f32 v26, v26;
	v9 =	vadd.f32 $3.333333430e-01, v9;
	v15 =	vmul.f32 v15, v30  }
0x88: {  	(erf) = vrcp.f32 v3;
	v10 =	vmul.f32 v10, v56;
	v16 =	vadd.f32 $3.333333430e-01, v16  }
0x89: {  	v44 =	vadd.f32 v27, v27;
	v9 =	vmul.f32 v9, v54;
	v36 =	vadd.f32 $3.333333430e-01, v15  }
0x8a: {  	v33 =	vsel vm9, $0x3F800000, v4;
	v3 =	vpop (erf);
	v38 =	vadd.f32 $3.333333430e-01, v10;
	v39 =	vmul.f32 v16, v29  }
0x8b: {  	v3 =	vmul.f32 v3, v63;
	v35 =	vpop (erf);
	v9 =	vadd.f32 $1.000000000e+00, v9;
	v11 =	vmul.f32 v36, v30  }
0x8c: {  	v4 =	vmul.f32 v35, v33;
	v37 =	vpop (erf);
	v7 =	vmul.f32 v38, v56;
	v41 =	vadd.f32 $1.000000000e+00, v39  }
0x8d: {  	v5 =	vmul.f32 v37, v34;
	v9 =	vmul.f32 v9, v40;
	v11 =	vadd.f32 $1.000000000e+00, v11  }
0x8e: {  	v46 =	vsub.f32 v13, v3;
	v7 =	vadd.f32 $1.000000000e+00, v7;
	v8 =	vmul.f32 v41, v42  }
0x8f: {  	v50 =	vsub.f32 v12, v4;
	v9 =	vadd.f32 v9, v32;
	v45 =	vmul.f32 v11, v43  }
0x90: {  	v47 =	vsub.f32 v14, v5;
	v7 =	vmul.f32 v7, v44;
	v8 =	vadd.f32 v8, v52  }
0x91: {  	vm6 =	vgt.s32 v17, $0xFFFFFFFF;
	v48 =	vpop (erf);
	v49 =	vsub.f32 v9, v25;
	v10 =	vadd.f32 v45, v28  }
0x92: {  	v14 =	vmul.f32 v48, v31;
	v9 =	vmul.f32 v9, v5;
	v7 =	vadd.f32 v7, v24  }
0x93: {  	v52 =	vmul.f32 v8, v3;
	v15 =	vmul.f32 v49, v47;
	v51 =	vsub.f32 v10, v53  }
0x94: {  	v54 =	vsub.f32 v6, v14;
	v5 =	vmul.f32 v9, v5;
	v53 =	vmul.f32 v10, v4  }
0x95: {  	v57 =	vsub.f32 v7, v18;
	v55 =	vmul.f32 v15, v47;
	v56 =	vmul.f32 v51, v50  }
0x96: {  	v8 =	vsub.f32 v8, v19;
	v7 =	vmul.f32 v7, v14;
	v4 =	vmul.f32 v53, v4  }
0x97: {  	v60 =	vld [tilespmem:s15+$0x10];
	v59 =	vmul.f32 v57, v54;
	v5 =	vsub.f32 v55, v5;
	v58 =	vmul.f32 v56, v50  }
0x98: {  	vm1 =	vmand vm1, vm6;
	v8 =	vmul.f32 v8, v46;
	v7 =	vmul.f32 v7, v14  }
0x99: {  	v6 =	vmul.f32 v59, v54;
	v5 =	vnsel vm1, $0x0, v5;
	v4 =	vsub.f32 v58, v4  }
0x9a: {  	vm13 =	vmand vm3, vm5;
	v3 =	vmul.f32 v52, v3;
	v2 =	vadd.f32 v5, v2  }
0x9b: {  	v62 =	vmul.f32 v8, v46;
	v61 =	vsub.f32 v6, v7;
	v4 =	vnsel vm13, $0x0, v4  }
0x9c: {  	vm14 =	vmand vm2, vm4;
	v63 =	vadd.s32 $0xFFFFFFFF, v60;
	v2 =	vadd.f32 v4, v2  }
0x9d: {  	vm15 =	vgt.s32 v63, $0xFFFFFFFF;
	v3 =	vsub.f32 v62, v3;
	v5 =	vnsel vm14, $0x0, v61  }
0x9e: {  	vm0 =	vmand vm0, vm15;
	v2 =	vadd.f32 v5, v2  }
0x9f: {  	v3 =	vnsel vm0, $0x0, v3  }
0xa0: {  	v2 =	vadd.f32 v3, v2;
	_ =	sdelay $0x1  }
0xa1: {  	s16 =	simm.s32 @!p0 $0x2600;
	s15 =	simm.s32 @!p0 $0x0;
	[tilespmem:$0x2580] =	vst v2  }
0xa2: {  	[tilespmem:s16], [sflag:$0x1] =	stream.linear.gather @!p0 [hbm4b:s1+s15], $0x80, $0x38;
	[tilespmem:$0x2680] =	vst v63  }
0xa3: {  	s15 =	simm.s32 @!p0 $0x1  }
0xa4: {  	_ =	swait.ge @!p0 [sflag:s15], $0x80  }
0xa5: {  	[sflag:s15] =	ssyncset.done @!p0 $0x0  }
0xa6: {  	[sflag:s15] =	ssyncadd.s32 @!p0 $0xFFFFFF80  }
0xa7: {  	v2 =	vld @!p0 [tilespmem:$0x2580]  }
0xa8: {  	v3 =	vld @!p0 [tilespmem:$0x2600];
	_ =	sdelay $0x1  }
0xa9: {  	v4 =	vld @!p0 [tilespmem:$0x2610];
	_ =	sdelay $0x1  }
0xaa: {  	v5 =	vld @!p0 [tilespmem:$0x2620]  }
0xab: {  	v2 =	vadd.f32 @!p0 v3, v2  }
0xac: {  	v3 =	vld @!p0 [tilespmem:$0x2630]  }
0xad: {  	v4 =	vadd.f32 @!p0 v4, v2  }
0xae: {  	v6 =	vld @!p0 [tilespmem:$0x2640]  }
0xaf: {  	v5 =	vadd.f32 @!p0 v5, v4  }
0xb0: {  	v7 =	vld @!p0 [tilespmem:$0x2650]  }
0xb1: {  	v3 =	vadd.f32 @!p0 v3, v5  }
0xb2: {  	v8 =	vld @!p0 [tilespmem:$0x2660]  }
0xb3: {  	v6 =	vadd.f32 @!p0 v6, v3  }
0xb4: {  	[tilespmem:$0x2580] =	vst @!p0 v2;
	v2 =	vld @!p0 [tilespmem:$0x2670]  }
0xb5: {  	[tilespmem:$0x2580] =	vst @!p0 v4;
	v4 =	vadd.f32 @!p0 v7, v6  }
0xb6: {  	[tilespmem:$0x2580] =	vst @!p0 v5  }
0xb7: {  	[tilespmem:$0x2580] =	vst @!p0 v3;
	v3 =	vadd.f32 @!p0 v8, v4  }
0xb8: {  	[tilespmem:$0x2580] =	vst @!p0 v6  }
0xb9: {  	s14 =	sadd.s32 $0x1, s14;
	[tilespmem:$0x2580] =	vst @!p0 v4;
	v2 =	vadd.f32 @!p0 v2, v3  }
0xba: {  	p1 =	sne.s32 s14, s8;
	[tilespmem:$0x2580] =	vst @!p0 v3  }
.Ltmp1:
0xbb: {  	[tilespmem:$0x2580] =	vst @!p0 v2;
	(pc) =	sbr.rel @p1 .LBB2_1-.Ltmp1, $4  }
0xbc: {  	[hbm4b:s7+s3] =	stream.linear.scatter [tilespmem:s13], [sflag:$0x1], $0x80, $0x38;
	[tilespmem:$0x2680] =	vst v63  }
0xbd: {  	_ =	swait.ge [sflag:s10], $0x80  }
0xbe: {  	[sflag:s10] =	ssyncset.done $0x0  }
0xbf: {  	[sflag:s10] =	ssyncadd.s32 $0xFFFFFF80  }
0xc0: {  	_ =	sfence.sel $0x180000  }
0xc1: {  	[bflag:$0x0] =	sbarrier.arrive $0xFFFF  }
0xc2: {  	p0 =	sne.s32 s0, $0x0;
	_ =	strace $0x90000047  }
0xc3: {  	s0 =	sadd.s32 @!p0 $0x100000, s2;
	[bflag:$0x2] =	sbarrier.arrive $0xFFFF  }
0xc4: {  	[sflag:s0] =	ssyncadd.tile.s32 @!p0 $0x1;
	_ =	shalt  }
.Lfunc_end2:
_tile_overlayer_lowered:
.L_overlay_start_2:
0xc5: {  	(tag) =	ssettag $0x2  }
0xc6: {  	s0 =	rddreg [dreg:$0x0];
	s2 =	stileid.u32  }
0xc7: {  	s1 =	rddreg [dreg:$0x1];
	p0 =	sne.s32 s2, $0x0  }
0xc8: {  	s3 =	rddreg [dreg:$0x2];
	[bflag:$0x3] =	sbarrier.arrive $0xFFFF;
	s2 =	simm.s32 @!p0 $0x1C01  }
0xc9: {  	[timem:s3], [sflag:s2] =	dma.local @!p0 [hbm:s0], s1  }
0xca: {  	s0 =	simm.s32 @!p0 $0x1  }
0xcb: {  	_ =	swait.ge @!p0 [sflag:s0], s1  }
0xcc: {  	s1 =	ssub.s32 @!p0 $0x0, s1;
	[sflag:s0] =	ssyncset.done @!p0 $0x0  }
0xcd: {  	[sflag:s0] =	ssyncadd.s32 @!p0 s1  }
0xce: {  	[bflag:$0x3] =	sbarrier.arrive $0xFFFF  }
0xcf: {  	_ =	shalt  }

</sc_bundles>
